<compile_context>
chip_gen: v7x
topology: tpu7x:2x2x1
jax: 0.10.2.dev20260603
libtpu: 0.0.44.dev20260713+nightly
codegen_flags: <defaults>
</compile_context>

<pallas_src>
import functools

import jax
import jax.numpy as jnp
from jax import lax
from jax.experimental import pallas as pl
from jax.experimental.pallas import tpu as pltpu
from jax.experimental.pallas import tpu_sc as plsc

D = 1024
E = 8
H = 2048
T = 2048
M = 256
NT = T // M + (E - 1)
P = NT * M
NTP = 128


def _route_body(x_ref, gw_ref, gb_ref, pos_ref, sp_ref):
    xs = x_ref[...]
    gw = gw_ref[...]
    scoresT = lax.dot_general(gw, xs, (((0,), (1,)), ((), ())),
                              preferred_element_type=jnp.float32)
    scoresT = scoresT + gb_ref[...].reshape(E, 1)

    eids = lax.broadcasted_iota(jnp.int32, (E, T), 0)
    mx = jnp.max(scoresT, axis=0, keepdims=True)
    selT = jnp.min(jnp.where(scoresT == mx, eids, E), axis=0, keepdims=True)
    oh = (eids == selT).astype(jnp.int32)

    c = oh
    k = 1
    while k < T:
        c = c + jnp.concatenate(
            [jnp.zeros((E, k), jnp.int32), c[:, : T - k]], axis=1)
        k *= 2

    counts = c[:, T - 1 : T]
    caps = jnp.bitwise_and(counts + (M - 1), -M)
    ic = caps
    k = 1
    while k < E:
        ic = ic + jnp.concatenate(
            [jnp.zeros((k, 1), jnp.int32), ic[: E - k, :]], axis=0)
        k *= 2
    offs = ic - caps

    rank = jnp.sum(c * oh, axis=0, keepdims=True) - 1
    base = jnp.sum(oh * offs, axis=0, keepdims=True)
    pos_ref[...] = (base + rank).reshape(T)

    lo = jnp.right_shift(offs, 8)
    hi = jnp.right_shift(ic, 8)
    sp_ref[...] = jnp.concatenate(
        [jnp.transpose(lo), jnp.transpose(hi)], axis=1)


def _route(x2, gate_w, gate_b2):
    return pl.pallas_call(
        _route_body,
        out_shape=(
            jax.ShapeDtypeStruct((T,), jnp.int32),
            jax.ShapeDtypeStruct((1, 2 * E), jnp.int32),
        ),
    )(x2, gate_w, gate_b2)


_NC = 2
_NS = 16
_NW = _NC * _NS
ROWS_W = T // _NW


@functools.lru_cache(maxsize=None)
def _sc_kernels():
    mesh = plsc.VectorSubcoreMesh(
        core_axis_name="c", subcore_axis_name="s",
        num_cores=_NC, num_subcores=_NS)
    @functools.partial(
        pl.kernel,
        out_type=jax.ShapeDtypeStruct((P, D), jnp.float32),
        mesh=mesh,
        scratch_types=[
            pltpu.VMEM((ROWS_W,), jnp.int32),
            pltpu.VMEM((ROWS_W, D), jnp.float32),
            pltpu.SemaphoreType.DMA,
        ],
    )
    def dispatch_k(x_hbm, pos_hbm, xs_hbm, idx_v, rows_v, sem):
        wid = lax.axis_index("s") * _NC + lax.axis_index("c")
        rbase = wid * ROWS_W
        pltpu.sync_copy(pos_hbm.at[pl.ds(rbase, ROWS_W)], idx_v)
        pltpu.sync_copy(x_hbm.at[pl.ds(rbase, ROWS_W)], rows_v)
        pltpu.async_copy(rows_v, xs_hbm.at[idx_v], sem).wait()

    @functools.partial(
        pl.kernel,
        out_type=jax.ShapeDtypeStruct((T, D), jnp.float32),
        mesh=mesh,
        scratch_types=[
            pltpu.VMEM((ROWS_W,), jnp.int32),
            pltpu.VMEM((ROWS_W, D), jnp.float32),
            pltpu.SemaphoreType.DMA,
        ],
    )
    def combine_k(ys_hbm, pos_hbm, out_hbm, idx_v, rows_v, sem):
        wid = lax.axis_index("s") * _NC + lax.axis_index("c")
        rbase = wid * ROWS_W
        pltpu.sync_copy(pos_hbm.at[pl.ds(rbase, ROWS_W)], idx_v)
        pltpu.async_copy(ys_hbm.at[idx_v], rows_v, sem).wait()
        pltpu.sync_copy(rows_v, out_hbm.at[pl.ds(rbase, ROWS_W)])

    return dispatch_k, combine_k


NBUF = 3
HC = 2
HCS = 1
HB = H // HC
NCH = E * HC


def _mlp_body(sp_ref, xs_ref, w1_hbm, b1_ref, w2_hbm, b2_ref, ys_ref,
              w1r, w2r, sems):
    def w_copies(c, slot):
        e = c >> HCS
        j = c & (HC - 1)
        return (
            pltpu.make_async_copy(w1_hbm.at[e, :, pl.ds(j * HB, HB)],
                                  w1r.at[slot], sems.at[0, slot]),
            pltpu.make_async_copy(w2_hbm.at[e, pl.ds(j * HB, HB), :],
                                  w2r.at[slot], sems.at[1, slot]),
        )

    for c in range(NBUF):
        for cp in w_copies(c, c):
            cp.start()

    def chunk_body(c, _):
        slot = lax.rem(c, NBUF)
        e = c >> HCS
        j = c & (HC - 1)
        c1, c2 = w_copies(c, slot)
        c1.wait()
        c2.wait()
        w1 = w1r[slot].astype(jnp.bfloat16)
        w2 = w2r[slot].astype(jnp.bfloat16)
        b1v = b1_ref[e, :, pl.ds(j * HB, HB)]
        b2v = b2_ref[e, :, :]
        lo = sp_ref[0, e]
        hi = sp_ref[0, E + e]

        def tile_body(t, _):
            r = t * M
            xt = xs_ref[pl.ds(r, M), :].astype(jnp.bfloat16)
            h = jnp.dot(xt, w1, preferred_element_type=jnp.float32)
            h = h + b1v
            h = 0.5 * h * (1.0 + lax.erf(h * 0.7071067811865476))
            o = jnp.dot(h.astype(jnp.bfloat16), w2,
                        preferred_element_type=jnp.float32)

            @pl.when(j == 0)
            def _():
                ys_ref[pl.ds(r, M), :] = o + b2v

            @pl.when(j != 0)
            def _():
                ys_ref[pl.ds(r, M), :] += o

            return 0

        lax.fori_loop(lo, hi, tile_body, 0)

        nxt = c + NBUF

        @pl.when(nxt < NCH)
        def _():
            for cp in w_copies(nxt, slot):
                cp.start()

        return 0

    lax.fori_loop(0, NCH, chunk_body, 0)


def _mlp(sp, xs, W1, b1, W2, b2):
    grid_spec = pltpu.PrefetchScalarGridSpec(
        num_scalar_prefetch=1,
        grid=(1,),
        in_specs=[
            pl.BlockSpec((P, D), lambda i, sp: (0, 0)),
            pl.BlockSpec(memory_space=pl.ANY),
            pl.BlockSpec((E, 1, H), lambda i, sp: (0, 0, 0)),
            pl.BlockSpec(memory_space=pl.ANY),
            pl.BlockSpec((E, 1, D), lambda i, sp: (0, 0, 0)),
        ],
        out_specs=pl.BlockSpec((P, D), lambda i, sp: (0, 0)),
        scratch_shapes=[
            pltpu.VMEM((NBUF, D, HB), jnp.float32),
            pltpu.VMEM((NBUF, HB, D), jnp.float32),
            pltpu.SemaphoreType.DMA((2, NBUF)),
        ],
    )
    return pl.pallas_call(
        _mlp_body,
        grid_spec=grid_spec,
        out_shape=jax.ShapeDtypeStruct((P, D), jnp.float32),
        compiler_params=pltpu.CompilerParams(
            dimension_semantics=("arbitrary",),
            vmem_limit_bytes=128 * 1024 * 1024,
        ),
    )(sp, xs, W1, b1, W2, b2)


def kernel(x, gate_w, gate_b, W1, b1, W2, b2):
    B, S, _ = x.shape
    x2 = x.reshape(T, D)
    pos, sp = _route(x2, gate_w, gate_b.reshape(1, E))
    dispatch_k, combine_k = _sc_kernels()
    xs = dispatch_k(x2, pos)
    ys = _mlp(sp, xs, W1, b1.reshape(E, 1, H), W2, b2.reshape(E, 1, D))
    out = combine_k(ys, pos)
    return out.reshape(B, S, D), jnp.zeros((), jnp.float32)

# --- scband reference (transcript-rebuilt; emitter-appended) ---
"""Pipeline reference for scband-mo-elayer-83837761618649 (READ-ONLY COPY).

The authoritative reference and input builder live on the scoring server;
editing this copy changes nothing except your own understanding.
"""

import jax, jax.numpy as jnp
import numpy as np

MODEL_DIM = 1024
NUM_EXPERTS = 8
HIDDEN = 2048
TOP_K = 2


def setup_inputs(seed: int = 0) -> dict:
    key = jax.random.key(seed)
    ks = jax.random.split(key, 6)
    x = jax.random.normal(ks[0], (1, 2048, MODEL_DIM), dtype=jnp.float32)
    gate_w = jax.random.normal(ks[1], (MODEL_DIM, NUM_EXPERTS), dtype=jnp.float32) * 0.02
    gate_b = jnp.zeros((NUM_EXPERTS,), dtype=jnp.float32)
    W1 = jax.random.normal(ks[2], (NUM_EXPERTS, MODEL_DIM, HIDDEN), dtype=jnp.float32) * 0.02
    b1 = jnp.zeros((NUM_EXPERTS, HIDDEN), dtype=jnp.float32)
    W2 = jax.random.normal(ks[3], (NUM_EXPERTS, HIDDEN, MODEL_DIM), dtype=jnp.float32) * 0.02
    b2 = jnp.zeros((NUM_EXPERTS, MODEL_DIM), dtype=jnp.float32)
    return {"x": x, "gate_w": gate_w, "gate_b": gate_b, "W1": W1, "b1": b1, "W2": W2, "b2": b2}


def reference(x, gate_w, gate_b, W1, b1, W2, b2):
    B, S, D = x.shape
    xf = x.reshape(-1, D)
    T = xf.shape[0]
    # gate: 'top' type, gate_noise=0.0, normalize_gate=False
    gate_scores = xf @ gate_w + gate_b
    topk_values, topk_indices = jax.lax.top_k(gate_scores, TOP_K)
    sel = topk_indices[:, 0]
    # per-token top-1 expert MLP; compute every expert on all tokens, then select
    h = jnp.einsum('td,edh->eth', xf, W1) + b1[:, None, :]
    h = jax.nn.gelu(h, approximate=False)
    o = jnp.einsum('eth,ehd->etd', h, W2) + b2[:, None, :]
    out = o[sel, jnp.arange(T)].reshape(B, S, D)
    l_aux = jnp.array(0.0, dtype=jnp.float32)
    return (out, l_aux)

if __name__ == "__main__":
    import jax
    _d = setup_inputs()
    print(jax.jit(kernel)(*tuple(_d.values())))

</pallas_src>

<mosaic_0001>
#map = affine_map<(d0, d1) -> (0, 0)>
#map1 = affine_map<(d0, d1) -> (0)>
module attributes {stable_mosaic.version = 14 : i64} {
  func.func @combine_k(%arg0: i32, %arg1: i32, %arg2: memref<3840x1024xf32, #tpu.memory_space<hbm>>, %arg3: memref<2048xi32, #tpu.memory_space<hbm>>, %arg4: memref<2048x1024xf32, #tpu.memory_space<hbm>>, %arg5: memref<64xi32, #tpu.memory_space<vmem>>, %arg6: memref<64x1024xf32, #tpu.memory_space<vmem>>, %arg7: memref<!tpu.dma_semaphore, #tpu.memory_space<semaphore_mem>>) attributes {dimension_semantics = [#tpu.dimension_semantics<core_parallel>, #tpu.dimension_semantics<subcore_parallel>], iteration_bounds = array<i64: 2, 16>, scalar_prefetch = 0 : i64, scratch_operands = 3 : i64, tpu.core_type = #tpu.core_type<sc_vector_subcore>, window_params = [{transform_indices = #map}, {transform_indices = #map1}, {transform_indices = #map}]} {
    %mul3A = arith.constant 2 : i32
    %mul3A_0 = arith.muli %arg1, %mul3A : i32
    %add3A = arith.addi %mul3A_0, %arg0 : i32
    %mul3A_1 = arith.constant 64 : i32
    %mul3A_2 = arith.muli %add3A, %mul3A_1 : i32
    "tpu.region"() ({
      %run_scoped3A = tpu.sem_alloc : memref<!tpu.dma_semaphore, #tpu.memory_space<semaphore_mem>>
      %dma_start3A_7 = tpu.memref_slice %arg3[%mul3A_2] : memref<2048xi32, #tpu.memory_space<hbm>> -> memref<64xi32, #tpu.memory_space<hbm>>
      %dma_start3A_8 = tpu.memref_slice %arg3[%mul3A_2] : memref<2048xi32, #tpu.memory_space<hbm>> -> memref<64xi32, #tpu.memory_space<hbm>>
      tpu.enqueue_dma source(%dma_start3A_8 : memref<64xi32, #tpu.memory_space<hbm>>) target(%arg5 : memref<64xi32, #tpu.memory_space<vmem>>) target_semaphore(%run_scoped3A : memref<!tpu.dma_semaphore, #tpu.memory_space<semaphore_mem>>)
      %dma_wait3A_9 = tpu.memref_slice %arg3[%mul3A_2] : memref<2048xi32, #tpu.memory_space<hbm>> -> memref<64xi32, #tpu.memory_space<hbm>>
      %dma_wait3A_10 = tpu.memref_slice %arg3[%mul3A_2] : memref<2048xi32, #tpu.memory_space<hbm>> -> memref<64xi32, #tpu.memory_space<hbm>>
      tpu.wait_dma2 semaphore(%run_scoped3A : memref<!tpu.dma_semaphore, #tpu.memory_space<semaphore_mem>>) src(%dma_wait3A_10 : memref<64xi32, #tpu.memory_space<hbm>>) dst(%arg5 : memref<64xi32, #tpu.memory_space<vmem>>)
      tpu.yield
    }) : () -> ()
    %dma_start3A = arith.constant 0 : i32
    %dma_start3A_3 = arith.constant 0 : i32
    %dma_start3A_4 = tpu.memref_slice %arg2[%dma_start3A, %dma_start3A_3] : memref<3840x1024xf32, #tpu.memory_space<hbm>> -> memref<3840x1024xf32, #tpu.memory_space<hbm>>
    tpu.enqueue_indirect_dma source(%dma_start3A_4 : memref<3840x1024xf32, #tpu.memory_space<hbm>>) target(%arg6 : memref<64x1024xf32, #tpu.memory_space<vmem>>) offsets(%arg5 : memref<64xi32, #tpu.memory_space<vmem>>) semaphore(%arg7 : memref<!tpu.dma_semaphore, #tpu.memory_space<semaphore_mem>>)
    %dma_wait3A = arith.constant 0 : i32
    %dma_wait3A_5 = arith.constant 0 : i32
    %dma_wait3A_6 = tpu.memref_slice %arg2[%dma_wait3A, %dma_wait3A_5] : memref<3840x1024xf32, #tpu.memory_space<hbm>> -> memref<3840x1024xf32, #tpu.memory_space<hbm>>
    tpu.wait_indirect_dma semaphore(%arg7 : memref<!tpu.dma_semaphore, #tpu.memory_space<semaphore_mem>>) src(%dma_wait3A_6 : memref<3840x1024xf32, #tpu.memory_space<hbm>>) dst(%arg6 : memref<64x1024xf32, #tpu.memory_space<vmem>>)
    "tpu.region"() ({
      %run_scoped3A = tpu.sem_alloc : memref<!tpu.dma_semaphore, #tpu.memory_space<semaphore_mem>>
      %dma_start3A_7 = arith.constant 0 : i32
      %dma_start3A_8 = tpu.memref_slice %arg4[%mul3A_2, %dma_start3A_7] : memref<2048x1024xf32, #tpu.memory_space<hbm>> -> memref<64x1024xf32, #tpu.memory_space<hbm>>
      %dma_start3A_9 = arith.constant 0 : i32
      %dma_start3A_10 = tpu.memref_slice %arg4[%mul3A_2, %dma_start3A_9] : memref<2048x1024xf32, #tpu.memory_space<hbm>> -> memref<64x1024xf32, #tpu.memory_space<hbm>>
      tpu.enqueue_dma source(%arg6 : memref<64x1024xf32, #tpu.memory_space<vmem>>) target(%dma_start3A_10 : memref<64x1024xf32, #tpu.memory_space<hbm>>) target_semaphore(%run_scoped3A : memref<!tpu.dma_semaphore, #tpu.memory_space<semaphore_mem>>)
      %dma_wait3A_11 = arith.constant 0 : i32
      %dma_wait3A_12 = tpu.memref_slice %arg4[%mul3A_2, %dma_wait3A_11] : memref<2048x1024xf32, #tpu.memory_space<hbm>> -> memref<64x1024xf32, #tpu.memory_space<hbm>>
      %dma_wait3A_13 = arith.constant 0 : i32
      %dma_wait3A_14 = tpu.memref_slice %arg4[%mul3A_2, %dma_wait3A_13] : memref<2048x1024xf32, #tpu.memory_space<hbm>> -> memref<64x1024xf32, #tpu.memory_space<hbm>>
      tpu.wait_dma2 semaphore(%run_scoped3A : memref<!tpu.dma_semaphore, #tpu.memory_space<semaphore_mem>>) src(%arg6 : memref<64x1024xf32, #tpu.memory_space<vmem>>) dst(%dma_wait3A_14 : memref<64x1024xf32, #tpu.memory_space<hbm>>)
      tpu.yield
    }) : () -> ()
    return
  }
}

#map = affine_map<(d0, d1) -> (0, 0)>
#map1 = affine_map<(d0, d1) -> (0)>
module attributes {stable_mosaic.version = 14 : i64} {
  func.func @dispatch_k(%arg0: i32, %arg1: i32, %arg2: memref<2048x1024xf32, #tpu.memory_space<hbm>>, %arg3: memref<2048xi32, #tpu.memory_space<hbm>>, %arg4: memref<3840x1024xf32, #tpu.memory_space<hbm>>, %arg5: memref<64xi32, #tpu.memory_space<vmem>>, %arg6: memref<64x1024xf32, #tpu.memory_space<vmem>>, %arg7: memref<!tpu.dma_semaphore, #tpu.memory_space<semaphore_mem>>) attributes {dimension_semantics = [#tpu.dimension_semantics<core_parallel>, #tpu.dimension_semantics<subcore_parallel>], iteration_bounds = array<i64: 2, 16>, scalar_prefetch = 0 : i64, scratch_operands = 3 : i64, tpu.core_type = #tpu.core_type<sc_vector_subcore>, window_params = [{transform_indices = #map}, {transform_indices = #map1}, {transform_indices = #map}]} {
    %mul3A = arith.constant 2 : i32
    %mul3A_0 = arith.muli %arg1, %mul3A : i32
    %add3A = arith.addi %mul3A_0, %arg0 : i32
    %mul3A_1 = arith.constant 64 : i32
    %mul3A_2 = arith.muli %add3A, %mul3A_1 : i32
    "tpu.region"() ({
      %run_scoped3A = tpu.sem_alloc : memref<!tpu.dma_semaphore, #tpu.memory_space<semaphore_mem>>
      %dma_start3A_7 = tpu.memref_slice %arg3[%mul3A_2] : memref<2048xi32, #tpu.memory_space<hbm>> -> memref<64xi32, #tpu.memory_space<hbm>>
      %dma_start3A_8 = tpu.memref_slice %arg3[%mul3A_2] : memref<2048xi32, #tpu.memory_space<hbm>> -> memref<64xi32, #tpu.memory_space<hbm>>
      tpu.enqueue_dma source(%dma_start3A_8 : memref<64xi32, #tpu.memory_space<hbm>>) target(%arg5 : memref<64xi32, #tpu.memory_space<vmem>>) target_semaphore(%run_scoped3A : memref<!tpu.dma_semaphore, #tpu.memory_space<semaphore_mem>>)
      %dma_wait3A_9 = tpu.memref_slice %arg3[%mul3A_2] : memref<2048xi32, #tpu.memory_space<hbm>> -> memref<64xi32, #tpu.memory_space<hbm>>
      %dma_wait3A_10 = tpu.memref_slice %arg3[%mul3A_2] : memref<2048xi32, #tpu.memory_space<hbm>> -> memref<64xi32, #tpu.memory_space<hbm>>
      tpu.wait_dma2 semaphore(%run_scoped3A : memref<!tpu.dma_semaphore, #tpu.memory_space<semaphore_mem>>) src(%dma_wait3A_10 : memref<64xi32, #tpu.memory_space<hbm>>) dst(%arg5 : memref<64xi32, #tpu.memory_space<vmem>>)
      tpu.yield
    }) : () -> ()
    "tpu.region"() ({
      %run_scoped3A = tpu.sem_alloc : memref<!tpu.dma_semaphore, #tpu.memory_space<semaphore_mem>>
      %dma_start3A_7 = arith.constant 0 : i32
      %dma_start3A_8 = tpu.memref_slice %arg2[%mul3A_2, %dma_start3A_7] : memref<2048x1024xf32, #tpu.memory_space<hbm>> -> memref<64x1024xf32, #tpu.memory_space<hbm>>
      %dma_start3A_9 = arith.constant 0 : i32
      %dma_start3A_10 = tpu.memref_slice %arg2[%mul3A_2, %dma_start3A_9] : memref<2048x1024xf32, #tpu.memory_space<hbm>> -> memref<64x1024xf32, #tpu.memory_space<hbm>>
      tpu.enqueue_dma source(%dma_start3A_10 : memref<64x1024xf32, #tpu.memory_space<hbm>>) target(%arg6 : memref<64x1024xf32, #tpu.memory_space<vmem>>) target_semaphore(%run_scoped3A : memref<!tpu.dma_semaphore, #tpu.memory_space<semaphore_mem>>)
      %dma_wait3A_11 = arith.constant 0 : i32
      %dma_wait3A_12 = tpu.memref_slice %arg2[%mul3A_2, %dma_wait3A_11] : memref<2048x1024xf32, #tpu.memory_space<hbm>> -> memref<64x1024xf32, #tpu.memory_space<hbm>>
      %dma_wait3A_13 = arith.constant 0 : i32
      %dma_wait3A_14 = tpu.memref_slice %arg2[%mul3A_2, %dma_wait3A_13] : memref<2048x1024xf32, #tpu.memory_space<hbm>> -> memref<64x1024xf32, #tpu.memory_space<hbm>>
      tpu.wait_dma2 semaphore(%run_scoped3A : memref<!tpu.dma_semaphore, #tpu.memory_space<semaphore_mem>>) src(%dma_wait3A_14 : memref<64x1024xf32, #tpu.memory_space<hbm>>) dst(%arg6 : memref<64x1024xf32, #tpu.memory_space<vmem>>)
      tpu.yield
    }) : () -> ()
    %dma_start3A = arith.constant 0 : i32
    %dma_start3A_3 = arith.constant 0 : i32
    %dma_start3A_4 = tpu.memref_slice %arg4[%dma_start3A, %dma_start3A_3] : memref<3840x1024xf32, #tpu.memory_space<hbm>> -> memref<3840x1024xf32, #tpu.memory_space<hbm>>
    tpu.enqueue_indirect_dma source(%arg6 : memref<64x1024xf32, #tpu.memory_space<vmem>>) target(%dma_start3A_4 : memref<3840x1024xf32, #tpu.memory_space<hbm>>) offsets(%arg5 : memref<64xi32, #tpu.memory_space<vmem>>) semaphore(%arg7 : memref<!tpu.dma_semaphore, #tpu.memory_space<semaphore_mem>>)
    %dma_wait3A = arith.constant 0 : i32
    %dma_wait3A_5 = arith.constant 0 : i32
    %dma_wait3A_6 = tpu.memref_slice %arg4[%dma_wait3A, %dma_wait3A_5] : memref<3840x1024xf32, #tpu.memory_space<hbm>> -> memref<3840x1024xf32, #tpu.memory_space<hbm>>
    tpu.wait_indirect_dma semaphore(%arg7 : memref<!tpu.dma_semaphore, #tpu.memory_space<semaphore_mem>>) src(%arg6 : memref<64x1024xf32, #tpu.memory_space<vmem>>) dst(%dma_wait3A_6 : memref<3840x1024xf32, #tpu.memory_space<hbm>>)
    return
  }
}

module attributes {stable_mosaic.version = 14 : i64} {
  func.func @_route_body(%arg0: memref<2048x1024xf32, #tpu.memory_space<vmem>>, %arg1: memref<1024x8xf32, #tpu.memory_space<vmem>>, %arg2: memref<1x8xf32, #tpu.memory_space<vmem>>, %arg3: memref<2048xi32, #tpu.memory_space<vmem>>, %arg4: memref<1x16xi32, #tpu.memory_space<vmem>>) attributes {dimension_semantics = [], scalar_prefetch = 0 : i64, scratch_operands = 0 : i64, tpu.core_type = #tpu.core_type<tc>} {
    %get3A = arith.constant 0 : index
    %get3A_0 = arith.constant 0 : index
    %get3A_1 = vector.load %arg0[%get3A, %get3A_0] : memref<2048x1024xf32, #tpu.memory_space<vmem>>, vector<2048x1024xf32>
    %get3A_2 = arith.constant 0 : index
    %get3A_3 = arith.constant 0 : index
    %get3A_4 = vector.load %arg1[%get3A_2, %get3A_3] : memref<1024x8xf32, #tpu.memory_space<vmem>>, vector<1024x8xf32>
    %dot_general3A = arith.constant dense<0.000000e+00> : vector<8x2048xf32>
    %dot_general3A_5 = tpu.matmul %get3A_4, %get3A_1, %dot_general3A {dimension_numbers = #tpu.dot_dimension_numbers<[0], [1], [1], [0], [0, 1, 1, 0], [], []>, transpose_lhs_hint = false} : vector<1024x8xf32>, vector<2048x1024xf32>, vector<8x2048xf32> -> vector<8x2048xf32>
    %get3A_6 = arith.constant 0 : index
    %get3A_7 = arith.constant 0 : index
    %get3A_8 = vector.load %arg2[%get3A_6, %get3A_7] : memref<1x8xf32, #tpu.memory_space<vmem>>, vector<1x8xf32>
    %reshape3A = vector.shape_cast %get3A_8 : vector<1x8xf32> to vector<8x1xf32>
    %add3A = vector.broadcast %reshape3A : vector<8x1xf32> to vector<8x2048xf32>
    %add3A_9 = arith.addf %dot_general3A_5, %add3A : vector<8x2048xf32>
    %iota3A = tpu.iota {dimensions = array<i32: 0>} : vector<8x2048xi32>
    %reduce_max3A = arith.constant dense<0xFF800000> : vector<2048xf32>
    %reduce_max3A_10 = vector.multi_reduction <maximumf>, %add3A_9, %reduce_max3A [0] : vector<8x2048xf32> to vector<2048xf32>
    %broadcast_in_dim3A = vector.shape_cast %reduce_max3A_10 : vector<2048xf32> to vector<1x2048xf32>
    %eq3A = vector.broadcast %broadcast_in_dim3A : vector<1x2048xf32> to vector<8x2048xf32>
    %eq3A_11 = arith.cmpf oeq, %add3A_9, %eq3A : vector<8x2048xf32>
    %jit3A = arith.constant 8 : i32
    %broadcast_in_dim3A_12 = vector.broadcast %jit3A : i32 to vector<8x2048xi32>
    %select_n3A = arith.select %eq3A_11, %iota3A, %broadcast_in_dim3A_12 : vector<8x2048xi1>, vector<8x2048xi32>
    %reduce_min3A = arith.constant dense<2147483647> : vector<2048xi32>
    %reduce_min3A_13 = vector.multi_reduction <minsi>, %select_n3A, %reduce_min3A [0] : vector<8x2048xi32> to vector<2048xi32>
    %broadcast_in_dim3A_14 = vector.shape_cast %reduce_min3A_13 : vector<2048xi32> to vector<1x2048xi32>
    %eq3A_15 = vector.broadcast %broadcast_in_dim3A_14 : vector<1x2048xi32> to vector<8x2048xi32>
    %eq3A_16 = arith.cmpi eq, %iota3A, %eq3A_15 : vector<8x2048xi32>
    %convert_element_type3A = arith.extui %eq3A_16 : vector<8x2048xi1> to vector<8x2048xi32>
    %broadcast_in_dim3A_17 = arith.constant 0 : i32
    %broadcast_in_dim3A_18 = vector.broadcast %broadcast_in_dim3A_17 : i32 to vector<8x1xi32>
    %slice3A = vector.extract_strided_slice %convert_element_type3A {offsets = [0, 0], sizes = [8, 2047], strides = [1, 1]} : vector<8x2048xi32> to vector<8x2047xi32>
    %concatenate3A = tpu.concatenate %broadcast_in_dim3A_18, %slice3A in 1 : vector<8x1xi32>, vector<8x2047xi32> -> vector<8x2048xi32>
    %add3A_19 = arith.addi %convert_element_type3A, %concatenate3A : vector<8x2048xi32>
    %broadcast_in_dim3A_20 = arith.constant 0 : i32
    %broadcast_in_dim3A_21 = vector.broadcast %broadcast_in_dim3A_20 : i32 to vector<8x2xi32>
    %slice3A_22 = vector.extract_strided_slice %add3A_19 {offsets = [0, 0], sizes = [8, 2046], strides = [1, 1]} : vector<8x2048xi32> to vector<8x2046xi32>
    %concatenate3A_23 = tpu.concatenate %broadcast_in_dim3A_21, %slice3A_22 in 1 : vector<8x2xi32>, vector<8x2046xi32> -> vector<8x2048xi32>
    %add3A_24 = arith.addi %add3A_19, %concatenate3A_23 : vector<8x2048xi32>
    %broadcast_in_dim3A_25 = arith.constant 0 : i32
    %broadcast_in_dim3A_26 = vector.broadcast %broadcast_in_dim3A_25 : i32 to vector<8x4xi32>
    %slice3A_27 = vector.extract_strided_slice %add3A_24 {offsets = [0, 0], sizes = [8, 2044], strides = [1, 1]} : vector<8x2048xi32> to vector<8x2044xi32>
    %concatenate3A_28 = tpu.concatenate %broadcast_in_dim3A_26, %slice3A_27 in 1 : vector<8x4xi32>, vector<8x2044xi32> -> vector<8x2048xi32>
    %add3A_29 = arith.addi %add3A_24, %concatenate3A_28 : vector<8x2048xi32>
    %broadcast_in_dim3A_30 = arith.constant 0 : i32
    %broadcast_in_dim3A_31 = vector.broadcast %broadcast_in_dim3A_30 : i32 to vector<8x8xi32>
    %slice3A_32 = vector.extract_strided_slice %add3A_29 {offsets = [0, 0], sizes = [8, 2040], strides = [1, 1]} : vector<8x2048xi32> to vector<8x2040xi32>
    %concatenate3A_33 = tpu.concatenate %broadcast_in_dim3A_31, %slice3A_32 in 1 : vector<8x8xi32>, vector<8x2040xi32> -> vector<8x2048xi32>
    %add3A_34 = arith.addi %add3A_29, %concatenate3A_33 : vector<8x2048xi32>
    %broadcast_in_dim3A_35 = arith.constant 0 : i32
    %broadcast_in_dim3A_36 = vector.broadcast %broadcast_in_dim3A_35 : i32 to vector<8x16xi32>
    %slice3A_37 = vector.extract_strided_slice %add3A_34 {offsets = [0, 0], sizes = [8, 2032], strides = [1, 1]} : vector<8x2048xi32> to vector<8x2032xi32>
    %concatenate3A_38 = tpu.concatenate %broadcast_in_dim3A_36, %slice3A_37 in 1 : vector<8x16xi32>, vector<8x2032xi32> -> vector<8x2048xi32>
    %add3A_39 = arith.addi %add3A_34, %concatenate3A_38 : vector<8x2048xi32>
    %broadcast_in_dim3A_40 = arith.constant 0 : i32
    %broadcast_in_dim3A_41 = vector.broadcast %broadcast_in_dim3A_40 : i32 to vector<8x32xi32>
    %slice3A_42 = vector.extract_strided_slice %add3A_39 {offsets = [0, 0], sizes = [8, 2016], strides = [1, 1]} : vector<8x2048xi32> to vector<8x2016xi32>
    %concatenate3A_43 = tpu.concatenate %broadcast_in_dim3A_41, %slice3A_42 in 1 : vector<8x32xi32>, vector<8x2016xi32> -> vector<8x2048xi32>
    %add3A_44 = arith.addi %add3A_39, %concatenate3A_43 : vector<8x2048xi32>
    %broadcast_in_dim3A_45 = arith.constant 0 : i32
    %broadcast_in_dim3A_46 = vector.broadcast %broadcast_in_dim3A_45 : i32 to vector<8x64xi32>
    %slice3A_47 = vector.extract_strided_slice %add3A_44 {offsets = [0, 0], sizes = [8, 1984], strides = [1, 1]} : vector<8x2048xi32> to vector<8x1984xi32>
    %concatenate3A_48 = tpu.concatenate %broadcast_in_dim3A_46, %slice3A_47 in 1 : vector<8x64xi32>, vector<8x1984xi32> -> vector<8x2048xi32>
    %add3A_49 = arith.addi %add3A_44, %concatenate3A_48 : vector<8x2048xi32>
    %broadcast_in_dim3A_50 = arith.constant 0 : i32
    %broadcast_in_dim3A_51 = vector.broadcast %broadcast_in_dim3A_50 : i32 to vector<8x128xi32>
    %slice3A_52 = vector.extract_strided_slice %add3A_49 {offsets = [0, 0], sizes = [8, 1920], strides = [1, 1]} : vector<8x2048xi32> to vector<8x1920xi32>
    %concatenate3A_53 = tpu.concatenate %broadcast_in_dim3A_51, %slice3A_52 in 1 : vector<8x128xi32>, vector<8x1920xi32> -> vector<8x2048xi32>
    %add3A_54 = arith.addi %add3A_49, %concatenate3A_53 : vector<8x2048xi32>
    %broadcast_in_dim3A_55 = arith.constant 0 : i32
    %broadcast_in_dim3A_56 = vector.broadcast %broadcast_in_dim3A_55 : i32 to vector<8x256xi32>
    %slice3A_57 = vector.extract_strided_slice %add3A_54 {offsets = [0, 0], sizes = [8, 1792], strides = [1, 1]} : vector<8x2048xi32> to vector<8x1792xi32>
    %concatenate3A_58 = tpu.concatenate %broadcast_in_dim3A_56, %slice3A_57 in 1 : vector<8x256xi32>, vector<8x1792xi32> -> vector<8x2048xi32>
    %add3A_59 = arith.addi %add3A_54, %concatenate3A_58 : vector<8x2048xi32>
    %broadcast_in_dim3A_60 = arith.constant 0 : i32
    %broadcast_in_dim3A_61 = vector.broadcast %broadcast_in_dim3A_60 : i32 to vector<8x512xi32>
    %slice3A_62 = vector.extract_strided_slice %add3A_59 {offsets = [0, 0], sizes = [8, 1536], strides = [1, 1]} : vector<8x2048xi32> to vector<8x1536xi32>
    %concatenate3A_63 = tpu.concatenate %broadcast_in_dim3A_61, %slice3A_62 in 1 : vector<8x512xi32>, vector<8x1536xi32> -> vector<8x2048xi32>
    %add3A_64 = arith.addi %add3A_59, %concatenate3A_63 : vector<8x2048xi32>
    %broadcast_in_dim3A_65 = arith.constant 0 : i32
    %broadcast_in_dim3A_66 = vector.broadcast %broadcast_in_dim3A_65 : i32 to vector<8x1024xi32>
    %slice3A_67 = vector.extract_strided_slice %add3A_64 {offsets = [0, 0], sizes = [8, 1024], strides = [1, 1]} : vector<8x2048xi32> to vector<8x1024xi32>
    %concatenate3A_68 = tpu.concatenate %broadcast_in_dim3A_66, %slice3A_67 in 1 : vector<8x1024xi32>, vector<8x1024xi32> -> vector<8x2048xi32>
    %add3A_69 = arith.addi %add3A_64, %concatenate3A_68 : vector<8x2048xi32>
    %slice3A_70 = vector.extract_strided_slice %add3A_69 {offsets = [0, 2047], sizes = [8, 1], strides = [1, 1]} : vector<8x2048xi32> to vector<8x1xi32>
    %add3A_71 = arith.constant 255 : i32
    %add3A_72 = vector.broadcast %add3A_71 : i32 to vector<8x1xi32>
    %add3A_73 = arith.addi %slice3A_70, %add3A_72 : vector<8x1xi32>
    %and3A = arith.constant -256 : i32
    %and3A_74 = vector.broadcast %and3A : i32 to vector<8x1xi32>
    %and3A_75 = arith.andi %add3A_73, %and3A_74 : vector<8x1xi32>
    %broadcast_in_dim3A_76 = arith.constant 0 : i32
    %broadcast_in_dim3A_77 = vector.broadcast %broadcast_in_dim3A_76 : i32 to vector<1x1xi32>
    %slice3A_78 = vector.extract_strided_slice %and3A_75 {offsets = [0, 0], sizes = [7, 1], strides = [1, 1]} : vector<8x1xi32> to vector<7x1xi32>
    %concatenate3A_79 = tpu.concatenate %broadcast_in_dim3A_77, %slice3A_78 in 0 : vector<1x1xi32>, vector<7x1xi32> -> vector<8x1xi32>
    %add3A_80 = arith.addi %and3A_75, %concatenate3A_79 : vector<8x1xi32>
    %broadcast_in_dim3A_81 = arith.constant 0 : i32
    %broadcast_in_dim3A_82 = vector.broadcast %broadcast_in_dim3A_81 : i32 to vector<2x1xi32>
    %slice3A_83 = vector.extract_strided_slice %add3A_80 {offsets = [0, 0], sizes = [6, 1], strides = [1, 1]} : vector<8x1xi32> to vector<6x1xi32>
    %concatenate3A_84 = tpu.concatenate %broadcast_in_dim3A_82, %slice3A_83 in 0 : vector<2x1xi32>, vector<6x1xi32> -> vector<8x1xi32>
    %add3A_85 = arith.addi %add3A_80, %concatenate3A_84 : vector<8x1xi32>
    %broadcast_in_dim3A_86 = arith.constant 0 : i32
    %broadcast_in_dim3A_87 = vector.broadcast %broadcast_in_dim3A_86 : i32 to vector<4x1xi32>
    %slice3A_88 = vector.extract_strided_slice %add3A_85 {offsets = [0, 0], sizes = [4, 1], strides = [1, 1]} : vector<8x1xi32> to vector<4x1xi32>
    %concatenate3A_89 = tpu.concatenate %broadcast_in_dim3A_87, %slice3A_88 in 0 : vector<4x1xi32>, vector<4x1xi32> -> vector<8x1xi32>
    %add3A_90 = arith.addi %add3A_85, %concatenate3A_89 : vector<8x1xi32>
    %sub3A = arith.subi %add3A_90, %and3A_75 : vector<8x1xi32>
    %mul3A = arith.muli %add3A_69, %convert_element_type3A : vector<8x2048xi32>
    %reduce_sum3A = arith.constant dense<0> : vector<2048xi32>
    %reduce_sum3A_91 = vector.multi_reduction <add>, %mul3A, %reduce_sum3A [0] : vector<8x2048xi32> to vector<2048xi32>
    %broadcast_in_dim3A_92 = vector.shape_cast %reduce_sum3A_91 : vector<2048xi32> to vector<1x2048xi32>
    %sub3A_93 = arith.constant 1 : i32
    %sub3A_94 = vector.broadcast %sub3A_93 : i32 to vector<1x2048xi32>
    %sub3A_95 = arith.subi %broadcast_in_dim3A_92, %sub3A_94 : vector<1x2048xi32>
    %mul3A_96 = vector.broadcast %sub3A : vector<8x1xi32> to vector<8x2048xi32>
    %mul3A_97 = arith.muli %convert_element_type3A, %mul3A_96 : vector<8x2048xi32>
    %reduce_sum3A_98 = arith.constant dense<0> : vector<2048xi32>
    %reduce_sum3A_99 = vector.multi_reduction <add>, %mul3A_97, %reduce_sum3A_98 [0] : vector<8x2048xi32> to vector<2048xi32>
    %broadcast_in_dim3A_100 = vector.shape_cast %reduce_sum3A_99 : vector<2048xi32> to vector<1x2048xi32>
    %add3A_101 = arith.addi %broadcast_in_dim3A_100, %sub3A_95 : vector<1x2048xi32>
    %reshape3A_102 = vector.shape_cast %add3A_101 : vector<1x2048xi32> to vector<2048xi32>
    %swap3A = arith.constant 0 : index
    %swap3A_103 = vector.load %arg3[%swap3A] : memref<2048xi32, #tpu.memory_space<vmem>>, vector<2048xi32>
    tpu.vector_store %arg3[%swap3A], %reshape3A_102 {strides = array<i32>} : memref<2048xi32, #tpu.memory_space<vmem>>, vector<2048xi32>,
    %shift_right_arithmetic3A = arith.constant 8 : i32
    %shift_right_arithmetic3A_104 = vector.broadcast %shift_right_arithmetic3A : i32 to vector<8x1xi32>
    %shift_right_arithmetic3A_105 = arith.shrsi %sub3A, %shift_right_arithmetic3A_104 : vector<8x1xi32>
    %shift_right_arithmetic3A_106 = arith.constant 8 : i32
    %shift_right_arithmetic3A_107 = vector.broadcast %shift_right_arithmetic3A_106 : i32 to vector<8x1xi32>
    %shift_right_arithmetic3A_108 = arith.shrsi %add3A_90, %shift_right_arithmetic3A_107 : vector<8x1xi32>
    %transpose3A = tpu.transpose %shift_right_arithmetic3A_105, [1, 0] : vector<8x1xi32> -> vector<1x8xi32>
    %transpose3A_109 = tpu.transpose %shift_right_arithmetic3A_108, [1, 0] : vector<8x1xi32> -> vector<1x8xi32>
    %concatenate3A_110 = tpu.concatenate %transpose3A, %transpose3A_109 in 1 : vector<1x8xi32>, vector<1x8xi32> -> vector<1x16xi32>
    %swap3A_111 = arith.constant 0 : index
    %swap3A_112 = arith.constant 0 : index
    %swap3A_113 = vector.load %arg4[%swap3A_111, %swap3A_112] : memref<1x16xi32, #tpu.memory_space<vmem>>, vector<1x16xi32>
    tpu.vector_store %arg4[%swap3A_111, %swap3A_112], %concatenate3A_110 {strides = array<i32>} : memref<1x16xi32, #tpu.memory_space<vmem>>, vector<1x16xi32>,
    return
  }
}

module attributes {stable_mosaic.version = 14 : i64} {
  func.func @_mlp_body(%arg0: i32, %arg1: memref<1x16xi32, #tpu.memory_space<smem>>, %arg2: memref<3840x1024xf32, #tpu.memory_space<vmem>>, %arg3: memref<8x1024x2048xf32, #tpu.memory_space<any>>, %arg4: memref<8x1x2048xf32, #tpu.memory_space<vmem>>, %arg5: memref<8x2048x1024xf32, #tpu.memory_space<any>>, %arg6: memref<8x1x1024xf32, #tpu.memory_space<vmem>>, %arg7: memref<3840x1024xf32, #tpu.memory_space<vmem>>, %arg8: memref<3x1024x1024xf32, #tpu.memory_space<vmem>>, %arg9: memref<3x1024x1024xf32, #tpu.memory_space<vmem>>, %arg10: memref<2x3x!tpu.dma_semaphore, #tpu.memory_space<semaphore_mem>>) attributes {dimension_semantics = [#tpu.dimension_semantics<arbitrary>], iteration_bounds = array<i64: 1>, scalar_prefetch = 1 : i64, scratch_operands = 3 : i64, tpu.core_type = #tpu.core_type<tc>, window_params = [{pipeline_mode = #tpu.pipeline_mode<synchronous>, transform_indices = @transform_0, window_bounds = array<i64: 3840, 1024>}, {}, {pipeline_mode = #tpu.pipeline_mode<synchronous>, transform_indices = @transform_2, window_bounds = array<i64: 8, 1, 2048>}, {}, {pipeline_mode = #tpu.pipeline_mode<synchronous>, transform_indices = @transform_4, window_bounds = array<i64: 8, 1, 1024>}, {pipeline_mode = #tpu.pipeline_mode<synchronous>, transform_indices = @transform_5, window_bounds = array<i64: 3840, 1024>}]} {
    %dma_start3A = arith.constant 0 : i32
    %dma_start3A_0 = arith.constant 0 : i32
    %dma_start3A_1 = arith.constant 0 : i32
    %dma_start3A_2 = arith.constant 0 : i32
    %dma_start3A_3 = tpu.memref_slice %arg10[%dma_start3A_1, %dma_start3A_2] : memref<2x3x!tpu.dma_semaphore, #tpu.memory_space<semaphore_mem>> -> memref<1x1x!tpu.dma_semaphore, #tpu.memory_space<semaphore_mem>>
    %dma_start3A_4 = tpu.memref_squeeze %dma_start3A_3 : memref<1x1x!tpu.dma_semaphore, #tpu.memory_space<semaphore_mem>> -> memref<!tpu.dma_semaphore, #tpu.memory_space<semaphore_mem>>
    %dma_start3A_5 = arith.constant 0 : i32
    %dma_start3A_6 = arith.constant 0 : i32
    %dma_start3A_7 = tpu.memref_slice %arg8[%dma_start3A_0, %dma_start3A_5, %dma_start3A_6] : memref<3x1024x1024xf32, #tpu.memory_space<vmem>> -> memref<1x1024x1024xf32, #tpu.memory_space<vmem>>
    %dma_start3A_8 = tpu.memref_squeeze %dma_start3A_7 : memref<1x1024x1024xf32, #tpu.memory_space<vmem>> -> memref<1024x1024xf32, #tpu.memory_space<vmem>>
    %dma_start3A_9 = arith.constant 0 : i32
    %dma_start3A_10 = arith.constant 0 : i32
    %dma_start3A_11 = tpu.memref_slice %arg3[%dma_start3A, %dma_start3A_9, %dma_start3A_10] : memref<8x1024x2048xf32, #tpu.memory_space<any>> -> memref<1x1024x1024xf32, #tpu.memory_space<any>>
    %dma_start3A_12 = tpu.memref_squeeze %dma_start3A_11 : memref<1x1024x1024xf32, #tpu.memory_space<any>> -> memref<1024x1024xf32, #tpu.memory_space<any>>
    tpu.enqueue_dma source(%dma_start3A_12 : memref<1024x1024xf32, #tpu.memory_space<any>>) target(%dma_start3A_8 : memref<1024x1024xf32, #tpu.memory_space<vmem>>) target_semaphore(%dma_start3A_4 : memref<!tpu.dma_semaphore, #tpu.memory_space<semaphore_mem>>)
    %dma_start3A_13 = arith.constant 0 : i32
    %dma_start3A_14 = arith.constant 0 : i32
    %dma_start3A_15 = arith.constant 1 : i32
    %dma_start3A_16 = arith.constant 0 : i32
    %dma_start3A_17 = tpu.memref_slice %arg10[%dma_start3A_15, %dma_start3A_16] : memref<2x3x!tpu.dma_semaphore, #tpu.memory_space<semaphore_mem>> -> memref<1x1x!tpu.dma_semaphore, #tpu.memory_space<semaphore_mem>>
    %dma_start3A_18 = tpu.memref_squeeze %dma_start3A_17 : memref<1x1x!tpu.dma_semaphore, #tpu.memory_space<semaphore_mem>> -> memref<!tpu.dma_semaphore, #tpu.memory_space<semaphore_mem>>
    %dma_start3A_19 = arith.constant 0 : i32
    %dma_start3A_20 = arith.constant 0 : i32
    %dma_start3A_21 = tpu.memref_slice %arg9[%dma_start3A_14, %dma_start3A_19, %dma_start3A_20] : memref<3x1024x1024xf32, #tpu.memory_space<vmem>> -> memref<1x1024x1024xf32, #tpu.memory_space<vmem>>
    %dma_start3A_22 = tpu.memref_squeeze %dma_start3A_21 : memref<1x1024x1024xf32, #tpu.memory_space<vmem>> -> memref<1024x1024xf32, #tpu.memory_space<vmem>>
    %dma_start3A_23 = arith.constant 0 : i32
    %dma_start3A_24 = arith.constant 0 : i32
    %dma_start3A_25 = tpu.memref_slice %arg5[%dma_start3A_13, %dma_start3A_23, %dma_start3A_24] : memref<8x2048x1024xf32, #tpu.memory_space<any>> -> memref<1x1024x1024xf32, #tpu.memory_space<any>>
    %dma_start3A_26 = tpu.memref_squeeze %dma_start3A_25 : memref<1x1024x1024xf32, #tpu.memory_space<any>> -> memref<1024x1024xf32, #tpu.memory_space<any>>
    tpu.enqueue_dma source(%dma_start3A_26 : memref<1024x1024xf32, #tpu.memory_space<any>>) target(%dma_start3A_22 : memref<1024x1024xf32, #tpu.memory_space<vmem>>) target_semaphore(%dma_start3A_18 : memref<!tpu.dma_semaphore, #tpu.memory_space<semaphore_mem>>)
    %dma_start3A_27 = arith.constant 0 : i32
    %dma_start3A_28 = arith.constant 1 : i32
    %dma_start3A_29 = arith.constant 0 : i32
    %dma_start3A_30 = arith.constant 1 : i32
    %dma_start3A_31 = tpu.memref_slice %arg10[%dma_start3A_29, %dma_start3A_30] : memref<2x3x!tpu.dma_semaphore, #tpu.memory_space<semaphore_mem>> -> memref<1x1x!tpu.dma_semaphore, #tpu.memory_space<semaphore_mem>>
    %dma_start3A_32 = tpu.memref_squeeze %dma_start3A_31 : memref<1x1x!tpu.dma_semaphore, #tpu.memory_space<semaphore_mem>> -> memref<!tpu.dma_semaphore, #tpu.memory_space<semaphore_mem>>
    %dma_start3A_33 = arith.constant 0 : i32
    %dma_start3A_34 = arith.constant 0 : i32
    %dma_start3A_35 = tpu.memref_slice %arg8[%dma_start3A_28, %dma_start3A_33, %dma_start3A_34] : memref<3x1024x1024xf32, #tpu.memory_space<vmem>> -> memref<1x1024x1024xf32, #tpu.memory_space<vmem>>
    %dma_start3A_36 = tpu.memref_squeeze %dma_start3A_35 : memref<1x1024x1024xf32, #tpu.memory_space<vmem>> -> memref<1024x1024xf32, #tpu.memory_space<vmem>>
    %dma_start3A_37 = arith.constant 0 : i32
    %dma_start3A_38 = arith.constant 1024 : i32
    %dma_start3A_39 = tpu.memref_slice %arg3[%dma_start3A_27, %dma_start3A_37, %dma_start3A_38] : memref<8x1024x2048xf32, #tpu.memory_space<any>> -> memref<1x1024x1024xf32, #tpu.memory_space<any>>
    %dma_start3A_40 = tpu.memref_squeeze %dma_start3A_39 : memref<1x1024x1024xf32, #tpu.memory_space<any>> -> memref<1024x1024xf32, #tpu.memory_space<any>>
    tpu.enqueue_dma source(%dma_start3A_40 : memref<1024x1024xf32, #tpu.memory_space<any>>) target(%dma_start3A_36 : memref<1024x1024xf32, #tpu.memory_space<vmem>>) target_semaphore(%dma_start3A_32 : memref<!tpu.dma_semaphore, #tpu.memory_space<semaphore_mem>>)
    %dma_start3A_41 = arith.constant 0 : i32
    %dma_start3A_42 = arith.constant 1 : i32
    %dma_start3A_43 = arith.constant 1 : i32
    %dma_start3A_44 = arith.constant 1 : i32
    %dma_start3A_45 = tpu.memref_slice %arg10[%dma_start3A_43, %dma_start3A_44] : memref<2x3x!tpu.dma_semaphore, #tpu.memory_space<semaphore_mem>> -> memref<1x1x!tpu.dma_semaphore, #tpu.memory_space<semaphore_mem>>
    %dma_start3A_46 = tpu.memref_squeeze %dma_start3A_45 : memref<1x1x!tpu.dma_semaphore, #tpu.memory_space<semaphore_mem>> -> memref<!tpu.dma_semaphore, #tpu.memory_space<semaphore_mem>>
    %dma_start3A_47 = arith.constant 0 : i32
    %dma_start3A_48 = arith.constant 0 : i32
    %dma_start3A_49 = tpu.memref_slice %arg9[%dma_start3A_42, %dma_start3A_47, %dma_start3A_48] : memref<3x1024x1024xf32, #tpu.memory_space<vmem>> -> memref<1x1024x1024xf32, #tpu.memory_space<vmem>>
    %dma_start3A_50 = tpu.memref_squeeze %dma_start3A_49 : memref<1x1024x1024xf32, #tpu.memory_space<vmem>> -> memref<1024x1024xf32, #tpu.memory_space<vmem>>
    %dma_start3A_51 = arith.constant 1024 : i32
    %dma_start3A_52 = arith.constant 0 : i32
    %dma_start3A_53 = tpu.memref_slice %arg5[%dma_start3A_41, %dma_start3A_51, %dma_start3A_52] : memref<8x2048x1024xf32, #tpu.memory_space<any>> -> memref<1x1024x1024xf32, #tpu.memory_space<any>>
    %dma_start3A_54 = tpu.memref_squeeze %dma_start3A_53 : memref<1x1024x1024xf32, #tpu.memory_space<any>> -> memref<1024x1024xf32, #tpu.memory_space<any>>
    tpu.enqueue_dma source(%dma_start3A_54 : memref<1024x1024xf32, #tpu.memory_space<any>>) target(%dma_start3A_50 : memref<1024x1024xf32, #tpu.memory_space<vmem>>) target_semaphore(%dma_start3A_46 : memref<!tpu.dma_semaphore, #tpu.memory_space<semaphore_mem>>)
    %dma_start3A_55 = arith.constant 1 : i32
    %dma_start3A_56 = arith.constant 2 : i32
    %dma_start3A_57 = arith.constant 0 : i32
    %dma_start3A_58 = arith.constant 2 : i32
    %dma_start3A_59 = tpu.memref_slice %arg10[%dma_start3A_57, %dma_start3A_58] : memref<2x3x!tpu.dma_semaphore, #tpu.memory_space<semaphore_mem>> -> memref<1x1x!tpu.dma_semaphore, #tpu.memory_space<semaphore_mem>>
    %dma_start3A_60 = tpu.memref_squeeze %dma_start3A_59 : memref<1x1x!tpu.dma_semaphore, #tpu.memory_space<semaphore_mem>> -> memref<!tpu.dma_semaphore, #tpu.memory_space<semaphore_mem>>
    %dma_start3A_61 = arith.constant 0 : i32
    %dma_start3A_62 = arith.constant 0 : i32
    %dma_start3A_63 = tpu.memref_slice %arg8[%dma_start3A_56, %dma_start3A_61, %dma_start3A_62] : memref<3x1024x1024xf32, #tpu.memory_space<vmem>> -> memref<1x1024x1024xf32, #tpu.memory_space<vmem>>
    %dma_start3A_64 = tpu.memref_squeeze %dma_start3A_63 : memref<1x1024x1024xf32, #tpu.memory_space<vmem>> -> memref<1024x1024xf32, #tpu.memory_space<vmem>>
    %dma_start3A_65 = arith.constant 0 : i32
    %dma_start3A_66 = arith.constant 0 : i32
    %dma_start3A_67 = tpu.memref_slice %arg3[%dma_start3A_55, %dma_start3A_65, %dma_start3A_66] : memref<8x1024x2048xf32, #tpu.memory_space<any>> -> memref<1x1024x1024xf32, #tpu.memory_space<any>>
    %dma_start3A_68 = tpu.memref_squeeze %dma_start3A_67 : memref<1x1024x1024xf32, #tpu.memory_space<any>> -> memref<1024x1024xf32, #tpu.memory_space<any>>
    tpu.enqueue_dma source(%dma_start3A_68 : memref<1024x1024xf32, #tpu.memory_space<any>>) target(%dma_start3A_64 : memref<1024x1024xf32, #tpu.memory_space<vmem>>) target_semaphore(%dma_start3A_60 : memref<!tpu.dma_semaphore, #tpu.memory_space<semaphore_mem>>)
    %dma_start3A_69 = arith.constant 1 : i32
    %dma_start3A_70 = arith.constant 2 : i32
    %dma_start3A_71 = arith.constant 1 : i32
    %dma_start3A_72 = arith.constant 2 : i32
    %dma_start3A_73 = tpu.memref_slice %arg10[%dma_start3A_71, %dma_start3A_72] : memref<2x3x!tpu.dma_semaphore, #tpu.memory_space<semaphore_mem>> -> memref<1x1x!tpu.dma_semaphore, #tpu.memory_space<semaphore_mem>>
    %dma_start3A_74 = tpu.memref_squeeze %dma_start3A_73 : memref<1x1x!tpu.dma_semaphore, #tpu.memory_space<semaphore_mem>> -> memref<!tpu.dma_semaphore, #tpu.memory_space<semaphore_mem>>
    %dma_start3A_75 = arith.constant 0 : i32
    %dma_start3A_76 = arith.constant 0 : i32
    %dma_start3A_77 = tpu.memref_slice %arg9[%dma_start3A_70, %dma_start3A_75, %dma_start3A_76] : memref<3x1024x1024xf32, #tpu.memory_space<vmem>> -> memref<1x1024x1024xf32, #tpu.memory_space<vmem>>
    %dma_start3A_78 = tpu.memref_squeeze %dma_start3A_77 : memref<1x1024x1024xf32, #tpu.memory_space<vmem>> -> memref<1024x1024xf32, #tpu.memory_space<vmem>>
    %dma_start3A_79 = arith.constant 0 : i32
    %dma_start3A_80 = arith.constant 0 : i32
    %dma_start3A_81 = tpu.memref_slice %arg5[%dma_start3A_69, %dma_start3A_79, %dma_start3A_80] : memref<8x2048x1024xf32, #tpu.memory_space<any>> -> memref<1x1024x1024xf32, #tpu.memory_space<any>>
    %dma_start3A_82 = tpu.memref_squeeze %dma_start3A_81 : memref<1x1024x1024xf32, #tpu.memory_space<any>> -> memref<1024x1024xf32, #tpu.memory_space<any>>
    tpu.enqueue_dma source(%dma_start3A_82 : memref<1024x1024xf32, #tpu.memory_space<any>>) target(%dma_start3A_78 : memref<1024x1024xf32, #tpu.memory_space<vmem>>) target_semaphore(%dma_start3A_74 : memref<!tpu.dma_semaphore, #tpu.memory_space<semaphore_mem>>)
    %scan3A = arith.constant 0 : i32
    %scan3A_83 = arith.constant 16 : i32
    %scan3A_84 = arith.addi %scan3A, %scan3A_83 : i32
    %scan3A_85 = arith.constant 1 : i32
    scf.for %scan3A_87 = %scan3A to %scan3A_84 step %scan3A_85  : i32 {
      %rem3A = arith.constant 3 : i32
      %rem3A_88 = arith.remsi %scan3A_87, %rem3A : i32
      %shift_right_arithmetic3A = arith.constant 1 : i32
      %shift_right_arithmetic3A_89 = arith.shrsi %scan3A_87, %shift_right_arithmetic3A : i32
      %and3A = arith.constant 1 : i32
      %and3A_90 = arith.andi %scan3A_87, %and3A : i32
      %shift_right_arithmetic3A_91 = arith.constant 1 : i32
      %shift_right_arithmetic3A_92 = arith.shrsi %scan3A_87, %shift_right_arithmetic3A_91 : i32
      %and3A_93 = arith.constant 1 : i32
      %and3A_94 = arith.andi %scan3A_87, %and3A_93 : i32
      %mul3A = arith.constant 1024 : i32
      %mul3A_95 = arith.muli %and3A_94, %mul3A : i32
      %mul3A_96 = arith.constant 1024 : i32
      %mul3A_97 = arith.muli %and3A_94, %mul3A_96 : i32
      %dma_wait3A = arith.constant 0 : i32
      %dma_wait3A_98 = tpu.memref_slice %arg10[%dma_wait3A, %rem3A_88] : memref<2x3x!tpu.dma_semaphore, #tpu.memory_space<semaphore_mem>> -> memref<1x1x!tpu.dma_semaphore, #tpu.memory_space<semaphore_mem>>
      %dma_wait3A_99 = tpu.memref_squeeze %dma_wait3A_98 : memref<1x1x!tpu.dma_semaphore, #tpu.memory_space<semaphore_mem>> -> memref<!tpu.dma_semaphore, #tpu.memory_space<semaphore_mem>>
      %dma_wait3A_100 = arith.constant 0 : i32
      %dma_wait3A_101 = arith.constant 0 : i32
      %dma_wait3A_102 = tpu.memref_slice %arg8[%rem3A_88, %dma_wait3A_100, %dma_wait3A_101] : memref<3x1024x1024xf32, #tpu.memory_space<vmem>> -> memref<1x1024x1024xf32, #tpu.memory_space<vmem>>
      %dma_wait3A_103 = tpu.memref_squeeze %dma_wait3A_102 : memref<1x1024x1024xf32, #tpu.memory_space<vmem>> -> memref<1024x1024xf32, #tpu.memory_space<vmem>>
      %dma_wait3A_104 = arith.constant 0 : i32
      %dma_wait3A_105 = tpu.memref_slice %arg3[%shift_right_arithmetic3A_92, %dma_wait3A_104, %mul3A_95] : memref<8x1024x2048xf32, #tpu.memory_space<any>> -> memref<1x1024x1024xf32, #tpu.memory_space<any>>
      %dma_wait3A_106 = tpu.memref_squeeze %dma_wait3A_105 : memref<1x1024x1024xf32, #tpu.memory_space<any>> -> memref<1024x1024xf32, #tpu.memory_space<any>>
      tpu.wait_dma2 semaphore(%dma_wait3A_99 : memref<!tpu.dma_semaphore, #tpu.memory_space<semaphore_mem>>) src(%dma_wait3A_106 : memref<1024x1024xf32, #tpu.memory_space<any>>) dst(%dma_wait3A_103 : memref<1024x1024xf32, #tpu.memory_space<vmem>>)
      %dma_wait3A_107 = arith.constant 1 : i32
      %dma_wait3A_108 = tpu.memref_slice %arg10[%dma_wait3A_107, %rem3A_88] : memref<2x3x!tpu.dma_semaphore, #tpu.memory_space<semaphore_mem>> -> memref<1x1x!tpu.dma_semaphore, #tpu.memory_space<semaphore_mem>>
      %dma_wait3A_109 = tpu.memref_squeeze %dma_wait3A_108 : memref<1x1x!tpu.dma_semaphore, #tpu.memory_space<semaphore_mem>> -> memref<!tpu.dma_semaphore, #tpu.memory_space<semaphore_mem>>
      %dma_wait3A_110 = arith.constant 0 : i32
      %dma_wait3A_111 = arith.constant 0 : i32
      %dma_wait3A_112 = tpu.memref_slice %arg9[%rem3A_88, %dma_wait3A_110, %dma_wait3A_111] : memref<3x1024x1024xf32, #tpu.memory_space<vmem>> -> memref<1x1024x1024xf32, #tpu.memory_space<vmem>>
      %dma_wait3A_113 = tpu.memref_squeeze %dma_wait3A_112 : memref<1x1024x1024xf32, #tpu.memory_space<vmem>> -> memref<1024x1024xf32, #tpu.memory_space<vmem>>
      %dma_wait3A_114 = arith.constant 0 : i32
      %dma_wait3A_115 = tpu.memref_slice %arg5[%shift_right_arithmetic3A_92, %mul3A_97, %dma_wait3A_114] : memref<8x2048x1024xf32, #tpu.memory_space<any>> -> memref<1x1024x1024xf32, #tpu.memory_space<any>>
      %dma_wait3A_116 = tpu.memref_squeeze %dma_wait3A_115 : memref<1x1024x1024xf32, #tpu.memory_space<any>> -> memref<1024x1024xf32, #tpu.memory_space<any>>
      tpu.wait_dma2 semaphore(%dma_wait3A_109 : memref<!tpu.dma_semaphore, #tpu.memory_space<semaphore_mem>>) src(%dma_wait3A_116 : memref<1024x1024xf32, #tpu.memory_space<any>>) dst(%dma_wait3A_113 : memref<1024x1024xf32, #tpu.memory_space<vmem>>)
      %get3A = arith.index_cast %rem3A_88 : i32 to index
      %get3A_117 = arith.constant 0 : index
      %get3A_118 = arith.constant 0 : index
      %get3A_119 = vector.load %arg8[%get3A, %get3A_117, %get3A_118] : memref<3x1024x1024xf32, #tpu.memory_space<vmem>>, vector<1x1024x1024xf32>
      %get3A_120 = vector.shape_cast %get3A_119 : vector<1x1024x1024xf32> to vector<1024x1024xf32>
      %convert_element_type3A = arith.truncf %get3A_120 : vector<1024x1024xf32> to vector<1024x1024xbf16>
      %get3A_121 = arith.index_cast %rem3A_88 : i32 to index
      %get3A_122 = arith.constant 0 : index
      %get3A_123 = arith.constant 0 : index
      %get3A_124 = vector.load %arg9[%get3A_121, %get3A_122, %get3A_123] : memref<3x1024x1024xf32, #tpu.memory_space<vmem>>, vector<1x1024x1024xf32>
      %get3A_125 = vector.shape_cast %get3A_124 : vector<1x1024x1024xf32> to vector<1024x1024xf32>
      %convert_element_type3A_126 = arith.truncf %get3A_125 : vector<1024x1024xf32> to vector<1024x1024xbf16>
      %mul3A_127 = arith.constant 1024 : i32
      %mul3A_128 = arith.muli %and3A_90, %mul3A_127 : i32
      %get3A_129 = arith.index_cast %shift_right_arithmetic3A_89 : i32 to index
      %get3A_130 = arith.constant 0 : index
      %get3A_131 = arith.index_cast %mul3A_128 : i32 to index
      %get3A_132 = vector.load %arg4[%get3A_129, %get3A_130, %get3A_131] : memref<8x1x2048xf32, #tpu.memory_space<vmem>>, vector<1x1x1024xf32>
      %get3A_133 = vector.shape_cast %get3A_132 : vector<1x1x1024xf32> to vector<1x1024xf32>
      %get3A_134 = arith.index_cast %shift_right_arithmetic3A_89 : i32 to index
      %get3A_135 = arith.constant 0 : index
      %get3A_136 = arith.constant 0 : index
      %get3A_137 = vector.load %arg6[%get3A_134, %get3A_135, %get3A_136] : memref<8x1x1024xf32, #tpu.memory_space<vmem>>, vector<1x1x1024xf32>
      %get3A_138 = vector.shape_cast %get3A_137 : vector<1x1x1024xf32> to vector<1x1024xf32>
      %get3A_139 = arith.constant 0 : index
      %get3A_140 = arith.index_cast %shift_right_arithmetic3A_89 : i32 to index
      %get3A_141 = memref.load %arg1[%get3A_139, %get3A_140] : memref<1x16xi32, #tpu.memory_space<smem>>
      %add3A = arith.constant 8 : i32
      %add3A_142 = arith.addi %add3A, %shift_right_arithmetic3A_89 : i32
      %get3A_143 = arith.constant 0 : index
      %get3A_144 = arith.index_cast %add3A_142 : i32 to index
      %get3A_145 = memref.load %arg1[%get3A_143, %get3A_144] : memref<1x16xi32, #tpu.memory_space<smem>>
      %while3A = arith.constant 0 : i32
      %while3A_146 = arith.subi %get3A_145, %get3A_141 : i32
      %while3A_147 = arith.addi %get3A_141, %while3A_146 : i32
      %while3A_148 = arith.constant 1 : i32
      %while3A_149 = arith.divsi %while3A_146, %while3A_148 : i32
      %while3A_150 = arith.muli %while3A_149, %while3A_148 : i32
      %while3A_151 = arith.addi %get3A_141, %while3A_150 : i32
      %while3A_152 = arith.constant 1 : i32
      %while3A_153 = scf.for %while3A_161 = %get3A_141 to %while3A_151 step %while3A_152 iter_args(%while3A_162 = %while3A) -> (i32)  : i32 {
        %mul3A_163 = arith.constant 256 : i32
        %mul3A_164 = arith.muli %while3A_161, %mul3A_163 : i32
        %get3A_165 = arith.index_cast %mul3A_164 : i32 to index
        %get3A_166 = arith.constant 0 : index
        %get3A_167 = vector.load %arg2[%get3A_165, %get3A_166] : memref<3840x1024xf32, #tpu.memory_space<vmem>>, vector<256x1024xf32>
        %convert_element_type3A_168 = arith.truncf %get3A_167 : vector<256x1024xf32> to vector<256x1024xbf16>
        %dot_general3A = arith.constant dense<0.000000e+00> : vector<256x1024xf32>
        %dot_general3A_169 = tpu.matmul %convert_element_type3A_168, %convert_element_type3A, %dot_general3A {dimension_numbers = #tpu.dot_dimension_numbers<[1], [0], [0], [1], [0, 0, 1, 1], [], []>, transpose_lhs_hint = false} : vector<256x1024xbf16>, vector<1024x1024xbf16>, vector<256x1024xf32> -> vector<256x1024xf32>
        %add3A_170 = vector.broadcast %get3A_133 : vector<1x1024xf32> to vector<256x1024xf32>
        %add3A_171 = arith.addf %dot_general3A_169, %add3A_170 : vector<256x1024xf32>
        %mul3A_172 = arith.constant 5.000000e-01 : f32
        %mul3A_173 = vector.broadcast %mul3A_172 : f32 to vector<256x1024xf32>
        %mul3A_174 = arith.mulf %mul3A_173, %add3A_171 : vector<256x1024xf32>
        %mul3A_175 = arith.constant 0.707106769 : f32
        %mul3A_176 = vector.broadcast %mul3A_175 : f32 to vector<256x1024xf32>
        %mul3A_177 = arith.mulf %add3A_171, %mul3A_176 : vector<256x1024xf32>
        %erf3A = math.erf %mul3A_177 : vector<256x1024xf32>
        %add3A_178 = arith.constant 1.000000e+00 : f32
        %add3A_179 = vector.broadcast %add3A_178 : f32 to vector<256x1024xf32>
        %add3A_180 = arith.addf %add3A_179, %erf3A : vector<256x1024xf32>
        %mul3A_181 = arith.mulf %mul3A_174, %add3A_180 : vector<256x1024xf32>
        %convert_element_type3A_182 = arith.truncf %mul3A_181 : vector<256x1024xf32> to vector<256x1024xbf16>
        %dot_general3A_183 = arith.constant dense<0.000000e+00> : vector<256x1024xf32>
        %dot_general3A_184 = tpu.matmul %convert_element_type3A_182, %convert_element_type3A_126, %dot_general3A_183 {dimension_numbers = #tpu.dot_dimension_numbers<[1], [0], [0], [1], [0, 0, 1, 1], [], []>, transpose_lhs_hint = false} : vector<256x1024xbf16>, vector<1024x1024xbf16>, vector<256x1024xf32> -> vector<256x1024xf32>
        %eq3A = arith.constant 0 : i32
        %eq3A_185 = arith.cmpi eq, %and3A_90, %eq3A : i32
        %convert_element_type3A_186 = arith.extui %eq3A_185 : i1 to i32
        %cond3A_187 = arith.constant 0 : i32
        %cond3A_188 = arith.cmpi ne, %convert_element_type3A_186, %cond3A_187 : i32
        scf.if %cond3A_188 {
          %add3A_194 = vector.broadcast %get3A_138 : vector<1x1024xf32> to vector<256x1024xf32>
          %add3A_195 = arith.addf %dot_general3A_184, %add3A_194 : vector<256x1024xf32>
          %swap3A = arith.index_cast %mul3A_164 : i32 to index
          %swap3A_196 = arith.constant 0 : index
          %swap3A_197 = vector.load %arg7[%swap3A, %swap3A_196] : memref<3840x1024xf32, #tpu.memory_space<vmem>>, vector<256x1024xf32>
          tpu.vector_store %arg7[%swap3A, %swap3A_196], %add3A_195 {strides = array<i32>} : memref<3840x1024xf32, #tpu.memory_space<vmem>>, vector<256x1024xf32>,
        } else {
        }
        %ne3A = arith.constant 0 : i32
        %ne3A_189 = arith.cmpi ne, %and3A_90, %ne3A : i32
        %convert_element_type3A_190 = arith.extui %ne3A_189 : i1 to i32
        %cond3A_191 = arith.constant 0 : i32
        %cond3A_192 = arith.cmpi ne, %convert_element_type3A_190, %cond3A_191 : i32
        scf.if %cond3A_192 {
          %get3A_194 = arith.index_cast %mul3A_164 : i32 to index
          %get3A_195 = arith.constant 0 : index
          %get3A_196 = vector.load %arg7[%get3A_194, %get3A_195] : memref<3840x1024xf32, #tpu.memory_space<vmem>>, vector<256x1024xf32>
          %add3A_197 = arith.addf %get3A_196, %dot_general3A_184 : vector<256x1024xf32>
          %swap3A = arith.index_cast %mul3A_164 : i32 to index
          %swap3A_198 = arith.constant 0 : index
          %swap3A_199 = vector.load %arg7[%swap3A, %swap3A_198] : memref<3840x1024xf32, #tpu.memory_space<vmem>>, vector<256x1024xf32>
          tpu.vector_store %arg7[%swap3A, %swap3A_198], %add3A_197 {strides = array<i32>} : memref<3840x1024xf32, #tpu.memory_space<vmem>>, vector<256x1024xf32>,
        } else {
        }
        %while3A_193 = arith.constant 0 : i32
        scf.yield %while3A_193 : i32
      }
      %while3A_154 = arith.constant 1 : i32
      %while3A_155 = scf.for %while3A_161 = %while3A_151 to %while3A_147 step %while3A_154 iter_args(%while3A_162 = %while3A_153) -> (i32)  : i32 {
        %mul3A_163 = arith.constant 256 : i32
        %mul3A_164 = arith.muli %while3A_161, %mul3A_163 : i32
        %get3A_165 = arith.index_cast %mul3A_164 : i32 to index
        %get3A_166 = arith.constant 0 : index
        %get3A_167 = vector.load %arg2[%get3A_165, %get3A_166] : memref<3840x1024xf32, #tpu.memory_space<vmem>>, vector<256x1024xf32>
        %convert_element_type3A_168 = arith.truncf %get3A_167 : vector<256x1024xf32> to vector<256x1024xbf16>
        %dot_general3A = arith.constant dense<0.000000e+00> : vector<256x1024xf32>
        %dot_general3A_169 = tpu.matmul %convert_element_type3A_168, %convert_element_type3A, %dot_general3A {dimension_numbers = #tpu.dot_dimension_numbers<[1], [0], [0], [1], [0, 0, 1, 1], [], []>, transpose_lhs_hint = false} : vector<256x1024xbf16>, vector<1024x1024xbf16>, vector<256x1024xf32> -> vector<256x1024xf32>
        %add3A_170 = vector.broadcast %get3A_133 : vector<1x1024xf32> to vector<256x1024xf32>
        %add3A_171 = arith.addf %dot_general3A_169, %add3A_170 : vector<256x1024xf32>
        %mul3A_172 = arith.constant 5.000000e-01 : f32
        %mul3A_173 = vector.broadcast %mul3A_172 : f32 to vector<256x1024xf32>
        %mul3A_174 = arith.mulf %mul3A_173, %add3A_171 : vector<256x1024xf32>
        %mul3A_175 = arith.constant 0.707106769 : f32
        %mul3A_176 = vector.broadcast %mul3A_175 : f32 to vector<256x1024xf32>
        %mul3A_177 = arith.mulf %add3A_171, %mul3A_176 : vector<256x1024xf32>
        %erf3A = math.erf %mul3A_177 : vector<256x1024xf32>
        %add3A_178 = arith.constant 1.000000e+00 : f32
        %add3A_179 = vector.broadcast %add3A_178 : f32 to vector<256x1024xf32>
        %add3A_180 = arith.addf %add3A_179, %erf3A : vector<256x1024xf32>
        %mul3A_181 = arith.mulf %mul3A_174, %add3A_180 : vector<256x1024xf32>
        %convert_element_type3A_182 = arith.truncf %mul3A_181 : vector<256x1024xf32> to vector<256x1024xbf16>
        %dot_general3A_183 = arith.constant dense<0.000000e+00> : vector<256x1024xf32>
        %dot_general3A_184 = tpu.matmul %convert_element_type3A_182, %convert_element_type3A_126, %dot_general3A_183 {dimension_numbers = #tpu.dot_dimension_numbers<[1], [0], [0], [1], [0, 0, 1, 1], [], []>, transpose_lhs_hint = false} : vector<256x1024xbf16>, vector<1024x1024xbf16>, vector<256x1024xf32> -> vector<256x1024xf32>
        %eq3A = arith.constant 0 : i32
        %eq3A_185 = arith.cmpi eq, %and3A_90, %eq3A : i32
        %convert_element_type3A_186 = arith.extui %eq3A_185 : i1 to i32
        %cond3A_187 = arith.constant 0 : i32
        %cond3A_188 = arith.cmpi ne, %convert_element_type3A_186, %cond3A_187 : i32
        scf.if %cond3A_188 {
          %add3A_194 = vector.broadcast %get3A_138 : vector<1x1024xf32> to vector<256x1024xf32>
          %add3A_195 = arith.addf %dot_general3A_184, %add3A_194 : vector<256x1024xf32>
          %swap3A = arith.index_cast %mul3A_164 : i32 to index
          %swap3A_196 = arith.constant 0 : index
          %swap3A_197 = vector.load %arg7[%swap3A, %swap3A_196] : memref<3840x1024xf32, #tpu.memory_space<vmem>>, vector<256x1024xf32>
          tpu.vector_store %arg7[%swap3A, %swap3A_196], %add3A_195 {strides = array<i32>} : memref<3840x1024xf32, #tpu.memory_space<vmem>>, vector<256x1024xf32>,
        } else {
        }
        %ne3A = arith.constant 0 : i32
        %ne3A_189 = arith.cmpi ne, %and3A_90, %ne3A : i32
        %convert_element_type3A_190 = arith.extui %ne3A_189 : i1 to i32
        %cond3A_191 = arith.constant 0 : i32
        %cond3A_192 = arith.cmpi ne, %convert_element_type3A_190, %cond3A_191 : i32
        scf.if %cond3A_192 {
          %get3A_194 = arith.index_cast %mul3A_164 : i32 to index
          %get3A_195 = arith.constant 0 : index
          %get3A_196 = vector.load %arg7[%get3A_194, %get3A_195] : memref<3840x1024xf32, #tpu.memory_space<vmem>>, vector<256x1024xf32>
          %add3A_197 = arith.addf %get3A_196, %dot_general3A_184 : vector<256x1024xf32>
          %swap3A = arith.index_cast %mul3A_164 : i32 to index
          %swap3A_198 = arith.constant 0 : index
          %swap3A_199 = vector.load %arg7[%swap3A, %swap3A_198] : memref<3840x1024xf32, #tpu.memory_space<vmem>>, vector<256x1024xf32>
          tpu.vector_store %arg7[%swap3A, %swap3A_198], %add3A_197 {strides = array<i32>} : memref<3840x1024xf32, #tpu.memory_space<vmem>>, vector<256x1024xf32>,
        } else {
        }
        %while3A_193 = arith.constant 0 : i32
        scf.yield %while3A_193 : i32
      }
      %add3A_156 = arith.constant 3 : i32
      %add3A_157 = arith.addi %scan3A_87, %add3A_156 : i32
      %lt3A = arith.constant 16 : i32
      %lt3A_158 = arith.cmpi slt, %add3A_157, %lt3A : i32
      %convert_element_type3A_159 = arith.extui %lt3A_158 : i1 to i32
      %cond3A = arith.constant 0 : i32
      %cond3A_160 = arith.cmpi ne, %convert_element_type3A_159, %cond3A : i32
      scf.if %cond3A_160 {
        %shift_right_arithmetic3A_161 = arith.constant 1 : i32
        %shift_right_arithmetic3A_162 = arith.shrsi %add3A_157, %shift_right_arithmetic3A_161 : i32
        %and3A_163 = arith.constant 1 : i32
        %and3A_164 = arith.andi %add3A_157, %and3A_163 : i32
        %mul3A_165 = arith.constant 1024 : i32
        %mul3A_166 = arith.muli %and3A_164, %mul3A_165 : i32
        %mul3A_167 = arith.constant 1024 : i32
        %mul3A_168 = arith.muli %and3A_164, %mul3A_167 : i32
        %dma_start3A_169 = arith.constant 0 : i32
        %dma_start3A_170 = tpu.memref_slice %arg10[%dma_start3A_169, %rem3A_88] : memref<2x3x!tpu.dma_semaphore, #tpu.memory_space<semaphore_mem>> -> memref<1x1x!tpu.dma_semaphore, #tpu.memory_space<semaphore_mem>>
        %dma_start3A_171 = tpu.memref_squeeze %dma_start3A_170 : memref<1x1x!tpu.dma_semaphore, #tpu.memory_space<semaphore_mem>> -> memref<!tpu.dma_semaphore, #tpu.memory_space<semaphore_mem>>
        %dma_start3A_172 = arith.constant 0 : i32
        %dma_start3A_173 = arith.constant 0 : i32
        %dma_start3A_174 = tpu.memref_slice %arg8[%rem3A_88, %dma_start3A_172, %dma_start3A_173] : memref<3x1024x1024xf32, #tpu.memory_space<vmem>> -> memref<1x1024x1024xf32, #tpu.memory_space<vmem>>
        %dma_start3A_175 = tpu.memref_squeeze %dma_start3A_174 : memref<1x1024x1024xf32, #tpu.memory_space<vmem>> -> memref<1024x1024xf32, #tpu.memory_space<vmem>>
        %dma_start3A_176 = arith.constant 0 : i32
        %dma_start3A_177 = tpu.memref_slice %arg3[%shift_right_arithmetic3A_162, %dma_start3A_176, %mul3A_166] : memref<8x1024x2048xf32, #tpu.memory_space<any>> -> memref<1x1024x1024xf32, #tpu.memory_space<any>>
        %dma_start3A_178 = tpu.memref_squeeze %dma_start3A_177 : memref<1x1024x1024xf32, #tpu.memory_space<any>> -> memref<1024x1024xf32, #tpu.memory_space<any>>
        tpu.enqueue_dma source(%dma_start3A_178 : memref<1024x1024xf32, #tpu.memory_space<any>>) target(%dma_start3A_175 : memref<1024x1024xf32, #tpu.memory_space<vmem>>) target_semaphore(%dma_start3A_171 : memref<!tpu.dma_semaphore, #tpu.memory_space<semaphore_mem>>)
        %dma_start3A_179 = arith.constant 1 : i32
        %dma_start3A_180 = tpu.memref_slice %arg10[%dma_start3A_179, %rem3A_88] : memref<2x3x!tpu.dma_semaphore, #tpu.memory_space<semaphore_mem>> -> memref<1x1x!tpu.dma_semaphore, #tpu.memory_space<semaphore_mem>>
        %dma_start3A_181 = tpu.memref_squeeze %dma_start3A_180 : memref<1x1x!tpu.dma_semaphore, #tpu.memory_space<semaphore_mem>> -> memref<!tpu.dma_semaphore, #tpu.memory_space<semaphore_mem>>
        %dma_start3A_182 = arith.constant 0 : i32
        %dma_start3A_183 = arith.constant 0 : i32
        %dma_start3A_184 = tpu.memref_slice %arg9[%rem3A_88, %dma_start3A_182, %dma_start3A_183] : memref<3x1024x1024xf32, #tpu.memory_space<vmem>> -> memref<1x1024x1024xf32, #tpu.memory_space<vmem>>
        %dma_start3A_185 = tpu.memref_squeeze %dma_start3A_184 : memref<1x1024x1024xf32, #tpu.memory_space<vmem>> -> memref<1024x1024xf32, #tpu.memory_space<vmem>>
        %dma_start3A_186 = arith.constant 0 : i32
        %dma_start3A_187 = tpu.memref_slice %arg5[%shift_right_arithmetic3A_162, %mul3A_168, %dma_start3A_186] : memref<8x2048x1024xf32, #tpu.memory_space<any>> -> memref<1x1024x1024xf32, #tpu.memory_space<any>>
        %dma_start3A_188 = tpu.memref_squeeze %dma_start3A_187 : memref<1x1024x1024xf32, #tpu.memory_space<any>> -> memref<1024x1024xf32, #tpu.memory_space<any>>
        tpu.enqueue_dma source(%dma_start3A_188 : memref<1024x1024xf32, #tpu.memory_space<any>>) target(%dma_start3A_185 : memref<1024x1024xf32, #tpu.memory_space<vmem>>) target_semaphore(%dma_start3A_181 : memref<!tpu.dma_semaphore, #tpu.memory_space<semaphore_mem>>)
      } else {
      }
    }
    %scan3A_86 = arith.constant 16 : i32
    return
  }
  func.func @transform_0(%arg0: i32, %arg1: memref<1x16xi32, #tpu.memory_space<smem>>) -> (i32, i32) {
    %c0_i32 = arith.constant 0 : i32
    %c0_i32_0 = arith.constant 0 : i32
    %c0_i32_1 = arith.constant 0 : i32
    return %c0_i32, %c0_i32_0 : i32, i32
  }
  func.func @transform_2(%arg0: i32, %arg1: memref<1x16xi32, #tpu.memory_space<smem>>) -> (i32, i32, i32) {
    %c0_i32 = arith.constant 0 : i32
    %c0_i32_0 = arith.constant 0 : i32
    %c0_i32_1 = arith.constant 0 : i32
    %c0_i32_2 = arith.constant 0 : i32
    return %c0_i32, %c0_i32_0, %c0_i32_1 : i32, i32, i32
  }
  func.func @transform_4(%arg0: i32, %arg1: memref<1x16xi32, #tpu.memory_space<smem>>) -> (i32, i32, i32) {
    %c0_i32 = arith.constant 0 : i32
    %c0_i32_0 = arith.constant 0 : i32
    %c0_i32_1 = arith.constant 0 : i32
    %c0_i32_2 = arith.constant 0 : i32
    return %c0_i32, %c0_i32_0, %c0_i32_1 : i32, i32, i32
  }
  func.func @transform_5(%arg0: i32, %arg1: memref<1x16xi32, #tpu.memory_space<smem>>) -> (i32, i32) {
    %c0_i32 = arith.constant 0 : i32
    %c0_i32_0 = arith.constant 0 : i32
    %c0_i32_1 = arith.constant 0 : i32
    return %c0_i32, %c0_i32_0 : i32, i32
  }
}

</mosaic_0001>

<sc_bundles>
// kernel: kernel.6.cloned.1.call-start
scs
__scs_entry_jumppad:
0x0: {  	(pc) =	sbr.rel $0x88, $3  }
0x1: {  	(tag) =	ssettag $0x0;
	lr =	simm.s32 $0x1  }
0x2: {  	[smem:$0x3F9A] =	sst lr;
	_ =	strace $0xD0000000  }
0x3: {  	_ = 	snop  }
0x4: {  	_ = 	snop  }
0x5: {  	_ = 	snop  }
0x6: {  	_ = 	snop  }
0x7: {  	_ = 	snop  }
__scs_overlays_trampoline_lowered:
0x8: {  	[smem:$0x3FA9] =	sst s0  }
0x9: {  	[smem:$0x3FAA] =	sst s1  }
0xa: {  	[smem:$0x3FAB] =	sst s2  }
0xb: {  	[smem:$0x3FAC] =	sst s3  }
0xc: {  	[smem:$0x3FAD] =	sst s4  }
0xd: {  	[smem:$0x3FAE] =	sst s5  }
0xe: {  	[smem:$0x3FAF] =	sst s6  }
0xf: {  	[smem:$0x3FB0] =	sst s7  }
0x10: {  	[smem:$0x3FB1] =	sst s8  }
0x11: {  	[smem:$0x3FB2] =	sst s9;
	s0 =	simm.s32 @!p0 $0x0  }
0x12: {  	s1 =	sld [smem:$0x3F98];
	s0 =	simm.s32 @p0 $0x1  }
0x13: {  	[smem:$0x3FB3] =	sst s0;
	s0 =	simm.s32 @!p1 $0x0  }
0x14: {  	s2 =	sld [smem:$0x3F97];
	s0 =	simm.s32 @p1 $0x1  }
0x15: {  	[smem:$0x3FB4] =	sst s0;
	s0 =	simm.s32 @!p2 $0x0  }
0x16: {  	s3 =	sld [smem:$0x3FDB];
	s0 =	simm.s32 @p2 $0x1  }
0x17: {  	s4 =	simm.s32 $0x1BF5;
	[smem:$0x3FB6] =	sst s0  }
0x18: {  	s0 =	sld [smem:$0x3F99];
	_ =	swait.ge [sflag:s4], $0x0  }
0x19: {  	s7 =	sld [smem:$0x3F9A]  }
0x1a: {  	s8 =	sadd.s32 $0xFFFFE003, lr  }
0x1b: {  	s9 =	sadd.s32 $0xFFFFFEF7, lr;
	s5 =	simm.s32 $0xFFFFFFFF;
	p2 =	slt.u32 s8, $0xFFFFF086  }
0x1c: {  	p1 =	slt.u32 s9, $0xF7A;
	s5 =	simm.s32 @!p2 $0x0  }
0x1d: {  	s5 =	simm.s32 @p1 $0x1;
	p0 =	seq.s32 s7, s2  }
0x1e: {  	s7 =	smul.u32 @!p0 $0xF7A, s2;
	p2 =	seq.s32 @!p0 s5, $0x0  }
0x1f: {  	s9 =	smul.u32 $0xF7A, s1;
	s8 =	simm.s32 @!p0 $0x1BF5;
	p2 =	por !p2, p0  }
0x20: {  	[sflag:s8] =	ssyncset.s32 @!p0 $0xFFFFF086;
	s6 =	sadd.s32 @!p0 s3, s7;
	s7 =	simm.s32 @!p0 $0x108  }
0x21: {  	s3 =	sadd.s32 s3, s9;
	s6 =	sadd.s32 @!p0 $0x88, s6;
	s7 =	simm.s32 @p2 $0x1082  }
0x22: {  	[simem:s7], [sflag:s8] =	dma.local @!p0 [hbm:s6], $0xF7A  }
0x23: {  	s9 =	sor.u32 $0xD0000000, s2;
	s6 =	simm.s32 $0x108;
	_ =	swait.ge @!p0 [sflag:s8], $0x0  }
0x24: {  	s3 =	sadd.s32 $0x88, s3;
	s6 =	simm.s32 @!p1 $0x1082;
	[sflag:s4] =	ssyncset.s32 $0xFFFFF086  }
0x25: {  	[simem:s6], [sflag:s4] =	dma.local [hbm:s3], $0xF7A  }
0x26: {  	[smem:$0x3F9A] =	sst s1;
	(tag) =	ssettag s2;
	_ =	strace s9  }
0x27: {  	s1 =	sld [smem:$0x3FAA]  }
0x28: {  	s2 =	sld [smem:$0x3FAB]  }
0x29: {  	s4 =	sld [smem:$0x3FAD]  }
0x2a: {  	p0 =	seq.s32 s5, $0x0;
	s5 =	sld [smem:$0x3FAE]  }
0x2b: {  	s6 =	sld [smem:$0x3FAF]  }
0x2c: {  	s7 =	sld [smem:$0x3FB0]  }
0x2d: {  	s3 =	simm.s32 $0x108;
	s8 =	sld [smem:$0x3FB1]  }
0x2e: {  	s3 =	simm.s32 @!p0 $0x1082;
	s9 =	sld [smem:$0x3FB2]  }
0x2f: {  	lr =	sadd.s32 s0, s3;
	s0 =	sld [smem:$0x3FA9]  }
0x30: {  	s3 =	sld [smem:$0x3FAC]  }
0x31: {  	[smem:$0x3FB5] =	sst s10  }
0x32: {  	s10 =	sld [smem:$0x3FB3];
	_ =	sdelay $0x3  }
0x33: {  	p0 =	seq.s32 s10, $0x1;
	s10 =	sld [smem:$0x3FB5];
	_ =	sdelay $0x3  }
0x34: {  	[smem:$0x3FB5] =	sst s10  }
0x35: {  	s10 =	sld [smem:$0x3FB4];
	_ =	sdelay $0x3  }
0x36: {  	p1 =	seq.s32 s10, $0x1;
	s10 =	sld [smem:$0x3FB5];
	_ =	sdelay $0x3  }
0x37: {  	[smem:$0x3FB5] =	sst s10  }
0x38: {  	s10 =	sld [smem:$0x3FB6]  }
0x39: {  	_ = 	snop;
	(pc) =	sbr.ind lr, $3  }
0x3a: {  	_ = 	snop  }
0x3b: {  	_ = 	snop  }
0x3c: {  	p2 =	seq.s32 s10, $0x1;
	s10 =	sld [smem:$0x3FB5]  }
0x3d: {  	_ =	shalt  }
0x3e: {  	_ =	shalt  }
0x3f: {  	_ =	shalt  }
0x40: {  	_ =	shalt  }
0x41: {  	_ =	shalt  }
0x42: {  	_ =	shalt  }
0x43: {  	_ =	shalt  }
0x44: {  	_ =	shalt  }
0x45: {  	_ =	shalt  }
0x46: {  	_ =	shalt  }
0x47: {  	_ =	shalt  }
0x48: {  	_ =	shalt  }
0x49: {  	_ =	shalt  }
0x4a: {  	_ =	shalt  }
0x4b: {  	_ =	shalt  }
0x4c: {  	_ =	shalt  }
0x4d: {  	_ =	shalt  }
0x4e: {  	_ =	shalt  }
0x4f: {  	_ =	shalt  }
0x50: {  	_ =	shalt  }
0x51: {  	_ =	shalt  }
0x52: {  	_ =	shalt  }
0x53: {  	_ =	shalt  }
0x54: {  	_ =	shalt  }
0x55: {  	_ =	shalt  }
0x56: {  	_ =	shalt  }
0x57: {  	_ =	shalt  }
0x58: {  	_ =	shalt  }
0x59: {  	_ =	shalt  }
0x5a: {  	_ =	shalt  }
0x5b: {  	_ =	shalt  }
0x5c: {  	_ =	shalt  }
0x5d: {  	_ =	shalt  }
0x5e: {  	_ =	shalt  }
0x5f: {  	_ =	shalt  }
0x60: {  	_ =	shalt  }
0x61: {  	_ =	shalt  }
0x62: {  	_ =	shalt  }
0x63: {  	_ =	shalt  }
0x64: {  	_ =	shalt  }
0x65: {  	_ =	shalt  }
0x66: {  	_ =	shalt  }
0x67: {  	_ =	shalt  }
0x68: {  	_ =	shalt  }
0x69: {  	_ =	shalt  }
0x6a: {  	_ =	shalt  }
0x6b: {  	_ =	shalt  }
0x6c: {  	_ =	shalt  }
0x6d: {  	_ =	shalt  }
0x6e: {  	_ =	shalt  }
0x6f: {  	_ =	shalt  }
0x70: {  	_ =	shalt  }
0x71: {  	_ =	shalt  }
0x72: {  	_ =	shalt  }
0x73: {  	_ =	shalt  }
0x74: {  	_ =	shalt  }
0x75: {  	_ =	shalt  }
0x76: {  	_ =	shalt  }
0x77: {  	_ =	shalt  }
0x78: {  	_ =	shalt  }
0x79: {  	_ =	shalt  }
0x7a: {  	_ =	shalt  }
0x7b: {  	_ =	shalt  }
0x7c: {  	_ =	shalt  }
0x7d: {  	_ =	shalt  }
0x7e: {  	_ =	shalt  }
0x7f: {  	_ =	shalt  }
0x80: {  	_ =	shalt  }
0x81: {  	_ =	shalt  }
0x82: {  	_ =	shalt  }
0x83: {  	_ =	shalt  }
0x84: {  	_ =	shalt  }
0x85: {  	_ =	shalt  }
0x86: {  	_ =	shalt  }
0x87: {  	_ =	shalt  }
.Lfunc_end0:
.L_simem_size_0:
called_computation_lowered:
.L_overlay_start_0:
0x88: {  	s2 =	sld [smem:$0x3FD9]  }
0x89: {  	s3 =	sld [smem:$0x3FFE];
	_ =	sdelay $0x1  }
0x8a: {  	s1 =	srdreg.scid  }
0x8b: {  	s0 =	sand.u32 $0x1, s1  }
0x8c: {  	s17 =	sshll.u32 s0, $0xA;
	s2 =	sadd.s32 s3, s2  }
0x8d: {  	s2 =	sadd.s32 s2, s17  }
0x8e: {  	[smem:$0x3FC1] =	sst s2  }
0x8f: {  	_ = 	snop  }
0x90: {  	s2 =	sld [smem:$0x3FC9];
	(tm) =	ssettm $0x1  }
0x91: {  	s18 =	sld [smem:$0x3FFB];
	_ =	sdelay $0x3  }
0x92: {  	_ =	strace s18  }
0x93: {  	s3 =	sld [smem:$0x3FFC];
	_ =	sdelay $0x3  }
0x94: {  	_ =	strace s3  }
0x95: {  	s3 =	sld [smem:$0x3FFD];
	_ =	sdelay $0x3  }
0x96: {  	_ =	strace s3  }
0x97: {  	_ =	strace $0x8FFFFFFF  }
0x98: {  	s19 =	sld [smem:$0x3FDB];
	_ =	sdelay $0x1  }
0x99: {  	s4 =	simm.s32 $_scs_section_size  }
0x9a: {  	s5 =	simm.s32 $_size__tile_overlayer_lowered;
	s6 =	simm.s32 $_tile_overlayer_lowered  }
0x9b: {  	s22 =	simm.s32 $0x1BFF;
	s21 =	sshll.u32 s6, $0x1;
	s3 =	sadd.s32 s4, s19  }
0x9c: {  	s7 =	simm.s32 $0x0;
	s20 =	sshll.u32 s5, $0x1;
	s5 =	sadd.s32 s21, s3  }
0x9d: {  	[timem:s7], [sflag:s22] =	dma.local [hbm:s5], s20  }
0x9e: {  	_ =	swait.ge [sflag:s22], s20  }
0x9f: {  	s4 =	ssub.s32 $0x0, s20;
	[sflag:s22] =	ssyncset.done $0x0  }
0xa0: {  	[sflag:s22] =	ssyncadd.s32 s4;
	_ =	sdelay $0x1  }
0xa1: {  	s23 =	simm.s32 $0x1B8B  }
0xa2: {  	_ =	swait.ge [sflag:s23], $0x1  }
0xa3: {  	[sflag:s23] =	ssyncset.done $0x0  }
0xa4: {  	s25 =	simm.s32 $0x1B8E;
	s24 =	sld [smem:$0x3FFE];
	[sflag:s23] =	ssyncadd.s32 $0xFFFFFFFF  }
0xa5: {  	s26 =	simm.s32 $execute0_lowered;
	[smem:$0x3FD2] =	sst s25  }
0xa6: {  	s5 =	sshll.u32 s26, $0x1;
	_ =	strace $0x80000046;
	[dreg:$0x1] =	wrdreg $0xFFFFFFFF  }
0xa7: {  	s28 =	simm.s32 $_size_execute0_lowered;
	s3 =	sadd.s32 s3, s5;
	[dreg:$0x0] =	wrdreg $0x0  }
0xa8: {  	s5 =	sshll.u32 s28, $0x1;
	[dreg:$0x2] =	wrdreg s3  }
0xa9: {  	[dreg:$0x3] =	wrdreg s5  }
0xaa: {  	[dreg:$0x4] =	wrdreg $0xC0  }
0xab: {  	_ =	task [dreg:s7], $0x5FFFF  }
0xac: {  	[dreg:$0x1] =	wrdreg $0xFFFFFFFF  }
0xad: {  	[dreg:$0x0] =	wrdreg $0x60  }
0xae: {  	[dreg:$0x2] =	wrdreg s2  }
0xaf: {  	[dreg:$0x3] =	wrdreg s24  }
0xb0: {  	[dreg:$0x4] =	wrdreg $0x9  }
0xb1: {  	_ =	task.clear_ibuf [dreg:s7], $0x5FFFF;
	_ =	strace $0x90000046  }
0xb2: {  	s29 =	simm.s32 $0x9;
	_ =	strace $0x80000048  }
0xb3: {  	_ =	swait.ge [sflag:s29], $0x1  }
0xb4: {  	[sflag:s29] =	ssyncadd.s32 $0xFFFFFFFF  }
0xb5: {  	_ =	strace $0x90000048  }
0xb6: {  	_ =	sfence  }
0xb7: {  	s30 =	sld [smem:$0x0];
	_ =	sdelay $0x2  }
0xb8: {  	s31 =	sshll.u32 s1, $0xD;
	s1 =	sshrl.u32 s1, $0x2  }
0xb9: {  	s3 =	sand.u32 $0x4000, s31;
	s1 =	sadd.s32 s1, s30  }
0xba: {  	s0 =	sor.u32 s3, s0;
	s1 =	sshll.u32 s1, $0x11  }
0xbb: {  	s0 =	sor.u32 s1, s0  }
0xbc: {  	s0 =	sadd.s32 $0x8F2B, s0  }
0xbd: {  	[sflag:s0] =	ssyncadd.remote.s32 $0x1  }
0xbe: {  	_ =	sfence.sel $0xFFFF  }
0xbf: {  	[dreg:$0x0] =	wrdreg $0xFFFFFFFF;
	(pc) =	sbr.abs _section_cstart, $3  }
0xc0: {  	[dreg:$0x1] =	wrdreg $0xFFFFFFFF  }
0xc1: {  	_ =	task.clear_ibuf [dreg:s7], $0x2FFFF;
	_ =	strace $0x9FFFFFFF  }
0xc2: {  	(tm) =	ssettm $0x7FFFFFFF  }
0xc3: {  	_ =	shalt  }
tec
execute0_lowered:
.L_overlay_start_1:
0x0: {  	(tag) =	ssettag $0x1  }
0x1: {  	s1 =	srdreg.scid  }
0x2: {  	s0 =	stileid.u32;
	s3 =	rddreg [dreg:$0x0]  }
0x3: {  	s6 =	rddreg [dreg:$0x1];
	s18 =	simm.s32 $0x880;
	s19 =	simm.s32 $0x1080  }
0x4: {  	s20 =	simm.s32 $0x1880;
	s22 =	simm.s32 $0x2080;
	s23 =	simm.s32 $0x2880  }
0x5: {  	s7 =	simm.s32 $0x3080;
	s24 =	simm.s32 $0x3880;
	s8 =	simm.s32 $0x4080  }
0x6: {  	s25 =	simm.s32 $0x4880;
	s26 =	simm.s32 $0x5080;
	s1 =	sand.u32 $0x1, s1  }
0x7: {  	s9 =	simm.s32 $0x80;
	s2 =	sshll.u32 s0, $0x7;
	s4 =	sshll.u32 s1, $0x6  }
0x8: {  	s11 =	simm.s32 $0x6080;
	s4 =	sor.u32 s4, s2;
	s2 =	simm.s32 $0x0  }
0x9: {  	s12 =	simm.s32 $0x6880;
	s13 =	simm.s32 $0x7080;
	[smem:$0x7FF] =	sst s2  }
0xa: {  	s14 =	simm.s32 $0x7880;
	_ =	strace $0x80000047;
	[dreg:$0x5] =	wrdreg s18  }
0xb: {  	s15 =	simm.s32 $0x8080;
	s16 =	simm.s32 $0x8880;
	[dreg:$0x6] =	wrdreg s19  }
0xc: {  	s17 =	simm.s32 $0x9080;
	s28 =	simm.s32 $0xE080;
	[dreg:$0x7] =	wrdreg s20  }
0xd: {  	s29 =	simm.s32 $0xE880;
	s30 =	simm.s32 $0xF080;
	[dreg:$0x8] =	wrdreg s22  }
0xe: {  	s31 =	simm.s32 $0xF880;
	s1 =	ssub.s32 $0x2, s1;
	[dreg:$0x9] =	wrdreg s23  }
0xf: {  	s21 =	sshrl.u32 s1, $0x1;
	s5 =	sshrl.u32 s4, $0x3;
	[dreg:$0xa] =	wrdreg s7  }
0x10: {  	s4 =	sshll.u32 s4, $0x7;
	s1 =	ssub.s32 s1, s21;
	[dreg:$0xb] =	wrdreg s24  }
0x11: {  	s21 =	simm.s32 $0xB080;
	s5 =	sadd.s32 s5, s6;
	[dreg:$0xc] =	wrdreg s8  }
0x12: {  	s3 =	sadd.s32 s3, s4;
	s4 =	sadd.s32 $0x1900, s6;
	[dreg:$0xd] =	wrdreg s25  }
0x13: {  	s7 =	smax.u32 s1, $0x1;
	s8 =	simm.s32 $0x2;
	[dreg:$0xe] =	wrdreg s26  }
0x14: {  	s18 =	simm.s32 $0x9880;
	s19 =	simm.s32 $0xA080;
	s20 =	simm.s32 $0xA880  }
0x15: {  	s22 =	simm.s32 $0xB880;
	s23 =	simm.s32 $0xC080;
	s24 =	simm.s32 $0xC880  }
0x16: {  	v2 =	vlaneseq.u32;
	s25 =	simm.s32 $0xD080;
	s26 =	simm.s32 $0xD880;
	s1 =	simm.s32 $0x1  }
0x17: {  	vm0 =	vmmov $0xffff;
	v1 =	vshrl.u32 v2, $0x3;
	s5 =	sadd.s32 $0x1600, s5;
	[dreg:$0x4] =	wrdreg s3;
	s3 =	sadd.s32 $0x1800, s6  }
0x18: {  	v0 =	vand.u32 $0x7, v2;
	v2 =	vor.u32 $0x8, v2;
	v1 =	vmul.u32 $0x8, v1;
	[dreg:$0x3] =	wrdreg s5;
	s5 =	sadd.s32 $0x1A00, s6;
	s6 =	sadd.s32 $0x1B00, s6  }
.LBB2_1:
0x19: {  	s0 =	rddreg [dreg:$0x3]  }
0x1a: {  	[tilespmem:s2], [sflag:$0x2] =	stream.linear.gather [hbm4b:s0+s2], $0x40, $0x38;
	[tilespmem:$0x10080] =	vst v63  }
0x1b: {  	_ =	swait.ge [sflag:s8], $0x40  }
0x1c: {  	[sflag:s8] =	ssyncset.done $0x0  }
0x1d: {  	s10 =	rddreg [dreg:$0x4];
	[sflag:s8] =	ssyncadd.s32 $0xFFFFFFC0  }
0x1e: {  	[tilespmem:s9], [sflag:$0x2] =	stream.linear.gather [hbm4b:s10+s2], $0x10000, $0x38;
	[tilespmem:$0x10080] =	vst v63  }
0x1f: {  	_ =	swait.ge [sflag:s8], $0x10000  }
0x20: {  	[sflag:s8] =	ssyncset.done $0x0  }
0x21: {  	[sflag:s8] =	ssyncadd.s32 $0xFFFF0000  }
0x22: {  	v3 =	vld [tilespmem:$0x0];
	_ =	sdelay $0x4  }
0x23: {  	v4 =	vshll.u32 v3, $0x3  }
0x24: {  	v3 =	vand.u32 $0x7, v3;
	v4 =	vand.u32 $0xFFFFFFC0, v4  }
0x25: {  	v3 =	vor.u32 v3, v4  }
0x26: {  	v4 =	vperm.xlane v3, v0;
	_ =	sdelay $0x1  }
0x27: {  	v4 =	vadd.s32 v1, v4;
	_ =	sdelay $0x4  }
0x28: {  	[hbm4b:s3+s2] =	stream.indirect_vreg.scatter [tilespmem:s9], [sflag:$0x1], $0x80, v4, vm0, $0xb8;
	[tilespmem:$0x10080] =	vst v63  }
0x29: {  	s0 =	rddreg [dreg:$0x5];
	v3 =	vperm.xlane v3, v2  }
0x2a: {  	[hbm4b:s4+s2] =	stream.indirect_vreg.scatter [tilespmem:s0], [sflag:$0x1], $0x80, v4, vm0, $0xb8;
	[tilespmem:$0x10080] =	vst v63  }
0x2b: {  	s10 =	rddreg [dreg:$0x6];
	v3 =	vadd.s32 v1, v3  }
0x2c: {  	[hbm4b:s5+s2] =	stream.indirect_vreg.scatter [tilespmem:s10], [sflag:$0x1], $0x80, v4, vm0, $0xb8;
	[tilespmem:$0x10080] =	vst v63  }
0x2d: {  	s0 =	rddreg [dreg:$0x7]  }
0x2e: {  	[hbm4b:s6+s2] =	stream.indirect_vreg.scatter [tilespmem:s0], [sflag:$0x1], $0x80, v4, vm0, $0xb8;
	[tilespmem:$0x10080] =	vst v63  }
0x2f: {  	s10 =	rddreg [dreg:$0x8]  }
0x30: {  	[hbm4b:s3+s2] =	stream.indirect_vreg.scatter [tilespmem:s10], [sflag:$0x1], $0x80, v3, vm0, $0xb8;
	[tilespmem:$0x10080] =	vst v63  }
0x31: {  	s0 =	rddreg [dreg:$0x9]  }
0x32: {  	[hbm4b:s4+s2] =	stream.indirect_vreg.scatter [tilespmem:s0], [sflag:$0x1], $0x80, v3, vm0, $0xb8;
	[tilespmem:$0x10080] =	vst v63  }
0x33: {  	s10 =	rddreg [dreg:$0xa]  }
0x34: {  	[hbm4b:s5+s2] =	stream.indirect_vreg.scatter [tilespmem:s10], [sflag:$0x1], $0x80, v3, vm0, $0xb8;
	[tilespmem:$0x10080] =	vst v63  }
0x35: {  	s0 =	rddreg [dreg:$0xb]  }
0x36: {  	[hbm4b:s6+s2] =	stream.indirect_vreg.scatter [tilespmem:s0], [sflag:$0x1], $0x80, v3, vm0, $0xb8;
	[tilespmem:$0x10080] =	vst v63  }
0x37: {  	v3 =	vld [tilespmem:$0x10];
	_ =	sdelay $0x4  }
0x38: {  	v61 =	vshll.u32 v3, $0x3  }
0x39: {  	v3 =	vand.u32 $0x7, v3;
	v4 =	vand.u32 $0xFFFFFFC0, v61  }
0x3a: {  	v3 =	vor.u32 v3, v4  }
0x3b: {  	v4 =	vperm.xlane v3, v0;
	_ =	sdelay $0x1  }
0x3c: {  	v4 =	vadd.s32 v1, v4;
	_ =	sdelay $0x3  }
0x3d: {  	s0 =	rddreg [dreg:$0xc]  }
0x3e: {  	[hbm4b:s3+s2] =	stream.indirect_vreg.scatter [tilespmem:s0], [sflag:$0x1], $0x80, v4, vm0, $0xb8;
	[tilespmem:$0x10080] =	vst v63  }
0x3f: {  	s10 =	rddreg [dreg:$0xd];
	v3 =	vperm.xlane v3, v2  }
0x40: {  	[hbm4b:s4+s2] =	stream.indirect_vreg.scatter [tilespmem:s10], [sflag:$0x1], $0x80, v4, vm0, $0xb8;
	[tilespmem:$0x10080] =	vst v63  }
0x41: {  	v3 =	vadd.s32 v1, v3;
	s0 =	rddreg [dreg:$0xe]  }
0x42: {  	[hbm4b:s5+s2] =	stream.indirect_vreg.scatter [tilespmem:s0], [sflag:$0x1], $0x80, v4, vm0, $0xb8;
	[tilespmem:$0x10080] =	vst v63  }
0x43: {  	s10 =	simm.s32 $0x5880  }
0x44: {  	[hbm4b:s6+s2] =	stream.indirect_vreg.scatter [tilespmem:s10], [sflag:$0x1], $0x80, v4, vm0, $0xb8;
	[tilespmem:$0x10080] =	vst v63  }
0x45: {  	_ = 	snop  }
0x46: {  	[hbm4b:s3+s2] =	stream.indirect_vreg.scatter [tilespmem:s11], [sflag:$0x1], $0x80, v3, vm0, $0xb8;
	[tilespmem:$0x10080] =	vst v63  }
0x47: {  	_ = 	snop  }
0x48: {  	[hbm4b:s4+s2] =	stream.indirect_vreg.scatter [tilespmem:s12], [sflag:$0x1], $0x80, v3, vm0, $0xb8;
	[tilespmem:$0x10080] =	vst v63  }
0x49: {  	_ = 	snop  }
0x4a: {  	[hbm4b:s5+s2] =	stream.indirect_vreg.scatter [tilespmem:s13], [sflag:$0x1], $0x80, v3, vm0, $0xb8;
	[tilespmem:$0x10080] =	vst v63  }
0x4b: {  	_ = 	snop  }
0x4c: {  	[hbm4b:s6+s2] =	stream.indirect_vreg.scatter [tilespmem:s14], [sflag:$0x1], $0x80, v3, vm0, $0xb8;
	[tilespmem:$0x10080] =	vst v63  }
0x4d: {  	v3 =	vld [tilespmem:$0x20];
	_ =	sdelay $0x4  }
0x4e: {  	v62 =	vshll.u32 v3, $0x3  }
0x4f: {  	v3 =	vand.u32 $0x7, v3;
	v4 =	vand.u32 $0xFFFFFFC0, v62  }
0x50: {  	v3 =	vor.u32 v3, v4  }
0x51: {  	v4 =	vperm.xlane v3, v0;
	_ =	sdelay $0x1  }
0x52: {  	v4 =	vadd.s32 v1, v4;
	_ =	sdelay $0x4  }
0x53: {  	[hbm4b:s3+s2] =	stream.indirect_vreg.scatter [tilespmem:s15], [sflag:$0x1], $0x80, v4, vm0, $0xb8;
	[tilespmem:$0x10080] =	vst v63  }
0x54: {  	v3 =	vperm.xlane v3, v2  }
0x55: {  	[hbm4b:s4+s2] =	stream.indirect_vreg.scatter [tilespmem:s16], [sflag:$0x1], $0x80, v4, vm0, $0xb8;
	[tilespmem:$0x10080] =	vst v63  }
0x56: {  	v3 =	vadd.s32 v1, v3  }
0x57: {  	[hbm4b:s5+s2] =	stream.indirect_vreg.scatter [tilespmem:s17], [sflag:$0x1], $0x80, v4, vm0, $0xb8;
	[tilespmem:$0x10080] =	vst v63  }
0x58: {  	_ = 	snop  }
0x59: {  	[hbm4b:s6+s2] =	stream.indirect_vreg.scatter [tilespmem:s18], [sflag:$0x1], $0x80, v4, vm0, $0xb8;
	[tilespmem:$0x10080] =	vst v63  }
0x5a: {  	_ = 	snop  }
0x5b: {  	[hbm4b:s3+s2] =	stream.indirect_vreg.scatter [tilespmem:s19], [sflag:$0x1], $0x80, v3, vm0, $0xb8;
	[tilespmem:$0x10080] =	vst v63  }
0x5c: {  	_ = 	snop  }
0x5d: {  	[hbm4b:s4+s2] =	stream.indirect_vreg.scatter [tilespmem:s20], [sflag:$0x1], $0x80, v3, vm0, $0xb8;
	[tilespmem:$0x10080] =	vst v63  }
0x5e: {  	_ = 	snop  }
0x5f: {  	[hbm4b:s5+s2] =	stream.indirect_vreg.scatter [tilespmem:s21], [sflag:$0x1], $0x80, v3, vm0, $0xb8;
	[tilespmem:$0x10080] =	vst v63  }
0x60: {  	_ = 	snop  }
0x61: {  	[hbm4b:s6+s2] =	stream.indirect_vreg.scatter [tilespmem:s22], [sflag:$0x1], $0x80, v3, vm0, $0xb8;
	[tilespmem:$0x10080] =	vst v63  }
0x62: {  	v3 =	vld [tilespmem:$0x30];
	_ =	sdelay $0x4  }
0x63: {  	v63 =	vshll.u32 v3, $0x3  }
0x64: {  	v3 =	vand.u32 $0x7, v3;
	v4 =	vand.u32 $0xFFFFFFC0, v63  }
0x65: {  	v3 =	vor.u32 v3, v4  }
0x66: {  	v4 =	vperm.xlane v3, v0;
	_ =	sdelay $0x1  }
0x67: {  	v4 =	vadd.s32 v1, v4;
	_ =	sdelay $0x4  }
0x68: {  	[hbm4b:s3+s2] =	stream.indirect_vreg.scatter [tilespmem:s23], [sflag:$0x1], $0x80, v4, vm0, $0xb8;
	[tilespmem:$0x10080] =	vst v63  }
0x69: {  	v3 =	vperm.xlane v3, v2  }
0x6a: {  	[hbm4b:s4+s2] =	stream.indirect_vreg.scatter [tilespmem:s24], [sflag:$0x1], $0x80, v4, vm0, $0xb8;
	[tilespmem:$0x10080] =	vst v63  }
0x6b: {  	v3 =	vadd.s32 v1, v3  }
0x6c: {  	[hbm4b:s5+s2] =	stream.indirect_vreg.scatter [tilespmem:s25], [sflag:$0x1], $0x80, v4, vm0, $0xb8;
	[tilespmem:$0x10080] =	vst v63  }
0x6d: {  	_ = 	snop  }
0x6e: {  	[hbm4b:s6+s2] =	stream.indirect_vreg.scatter [tilespmem:s26], [sflag:$0x1], $0x80, v4, vm0, $0xb8;
	[tilespmem:$0x10080] =	vst v63  }
0x6f: {  	_ = 	snop  }
0x70: {  	[hbm4b:s3+s2] =	stream.indirect_vreg.scatter [tilespmem:s28], [sflag:$0x1], $0x80, v3, vm0, $0xb8;
	[tilespmem:$0x10080] =	vst v63  }
0x71: {  	_ = 	snop  }
0x72: {  	[hbm4b:s4+s2] =	stream.indirect_vreg.scatter [tilespmem:s29], [sflag:$0x1], $0x80, v3, vm0, $0xb8;
	[tilespmem:$0x10080] =	vst v63  }
0x73: {  	p0 =	sne.s32 s7, $0x1  }
0x74: {  	[hbm4b:s5+s2] =	stream.indirect_vreg.scatter [tilespmem:s30], [sflag:$0x1], $0x80, v3, vm0, $0xb8;
	[tilespmem:$0x10080] =	vst v63  }
.Ltmp0:
0x75: {  	_ = 	snop;
	(pc) =	sbr.rel @p0 .LBB2_1-.Ltmp0, $4  }
0x76: {  	[hbm4b:s6+s2] =	stream.indirect_vreg.scatter [tilespmem:s31], [sflag:$0x1], $0x80, v3, vm0, $0xb8;
	[tilespmem:$0x10080] =	vst v63  }
0x77: {  	_ =	swait.ge [sflag:s1], $0x10000  }
0x78: {  	[sflag:s1] =	ssyncset.done $0x0  }
0x79: {  	s7 =	sadd.s32 $0xFFFFFFFF, s7;
	[sflag:s1] =	ssyncadd.s32 $0xFFFF0000  }
0x7a: {  	_ =	sfence.sel $0x180000  }
0x7b: {  	[bflag:$0x0] =	sbarrier.arrive $0xFFFF  }
0x7c: {  	_ =	strace $0x90000047  }
0x7d: {  	s0 =	stileid.u32;
	[bflag:$0x2] =	sbarrier.arrive $0xFFFF  }
0x7e: {  	p0 =	sne.s32 s0, $0x0;
	s0 =	rddreg [dreg:$0x2]  }
0x7f: {  	s0 =	sadd.s32 @!p0 $0x100000, s0  }
0x80: {  	[sflag:s0] =	ssyncadd.tile.s32 @!p0 $0x1;
	_ =	shalt  }
.Lfunc_end2:
_tile_overlayer_lowered:
.L_overlay_start_2:
0x81: {  	(tag) =	ssettag $0x2  }
0x82: {  	s0 =	rddreg [dreg:$0x0];
	s2 =	stileid.u32  }
0x83: {  	s1 =	rddreg [dreg:$0x1];
	p0 =	sne.s32 s2, $0x0  }
0x84: {  	s3 =	rddreg [dreg:$0x2];
	[bflag:$0x3] =	sbarrier.arrive $0xFFFF;
	s2 =	simm.s32 @!p0 $0x1C02  }
0x85: {  	[timem:s3], [sflag:s2] =	dma.local @!p0 [hbm:s0], s1  }
0x86: {  	s0 =	simm.s32 @!p0 $0x2  }
0x87: {  	_ =	swait.ge @!p0 [sflag:s0], s1  }
0x88: {  	s1 =	ssub.s32 @!p0 $0x0, s1;
	[sflag:s0] =	ssyncset.done @!p0 $0x0  }
0x89: {  	[sflag:s0] =	ssyncadd.s32 @!p0 s1  }
0x8a: {  	[bflag:$0x3] =	sbarrier.arrive $0xFFFF  }
0x8b: {  	_ =	shalt  }

// kernel: kernel.9.cloned.1.call-start
scs
__scs_entry_jumppad:
0x0: {  	(pc) =	sbr.rel $0x88, $3  }
0x1: {  	(tag) =	ssettag $0x0;
	lr =	simm.s32 $0x1  }
0x2: {  	[smem:$0x3F9A] =	sst lr;
	_ =	strace $0xD0000000  }
0x3: {  	_ = 	snop  }
0x4: {  	_ = 	snop  }
0x5: {  	_ = 	snop  }
0x6: {  	_ = 	snop  }
0x7: {  	_ = 	snop  }
__scs_overlays_trampoline_lowered:
0x8: {  	[smem:$0x3FA9] =	sst s0  }
0x9: {  	[smem:$0x3FAA] =	sst s1  }
0xa: {  	[smem:$0x3FAB] =	sst s2  }
0xb: {  	[smem:$0x3FAC] =	sst s3  }
0xc: {  	[smem:$0x3FAD] =	sst s4  }
0xd: {  	[smem:$0x3FAE] =	sst s5  }
0xe: {  	[smem:$0x3FAF] =	sst s6  }
0xf: {  	[smem:$0x3FB0] =	sst s7  }
0x10: {  	[smem:$0x3FB1] =	sst s8  }
0x11: {  	[smem:$0x3FB2] =	sst s9;
	s0 =	simm.s32 @!p0 $0x0  }
0x12: {  	s1 =	sld [smem:$0x3F98];
	s0 =	simm.s32 @p0 $0x1  }
0x13: {  	[smem:$0x3FB3] =	sst s0;
	s0 =	simm.s32 @!p1 $0x0  }
0x14: {  	s2 =	sld [smem:$0x3F97];
	s0 =	simm.s32 @p1 $0x1  }
0x15: {  	[smem:$0x3FB4] =	sst s0;
	s0 =	simm.s32 @!p2 $0x0  }
0x16: {  	s3 =	sld [smem:$0x3FDB];
	s0 =	simm.s32 @p2 $0x1  }
0x17: {  	s4 =	simm.s32 $0x1BF5;
	[smem:$0x3FB6] =	sst s0  }
0x18: {  	s0 =	sld [smem:$0x3F99];
	_ =	swait.ge [sflag:s4], $0x0  }
0x19: {  	s7 =	sld [smem:$0x3F9A]  }
0x1a: {  	s8 =	sadd.s32 $0xFFFFE003, lr  }
0x1b: {  	s9 =	sadd.s32 $0xFFFFFEF7, lr;
	s5 =	simm.s32 $0xFFFFFFFF;
	p2 =	slt.u32 s8, $0xFFFFF086  }
0x1c: {  	p1 =	slt.u32 s9, $0xF7A;
	s5 =	simm.s32 @!p2 $0x0  }
0x1d: {  	s5 =	simm.s32 @p1 $0x1;
	p0 =	seq.s32 s7, s2  }
0x1e: {  	s7 =	smul.u32 @!p0 $0xF7A, s2;
	p2 =	seq.s32 @!p0 s5, $0x0  }
0x1f: {  	s9 =	smul.u32 $0xF7A, s1;
	s8 =	simm.s32 @!p0 $0x1BF5;
	p2 =	por !p2, p0  }
0x20: {  	[sflag:s8] =	ssyncset.s32 @!p0 $0xFFFFF086;
	s6 =	sadd.s32 @!p0 s3, s7;
	s7 =	simm.s32 @!p0 $0x108  }
0x21: {  	s3 =	sadd.s32 s3, s9;
	s6 =	sadd.s32 @!p0 $0x88, s6;
	s7 =	simm.s32 @p2 $0x1082  }
0x22: {  	[simem:s7], [sflag:s8] =	dma.local @!p0 [hbm:s6], $0xF7A  }
0x23: {  	s9 =	sor.u32 $0xD0000000, s2;
	s6 =	simm.s32 $0x108;
	_ =	swait.ge @!p0 [sflag:s8], $0x0  }
0x24: {  	s3 =	sadd.s32 $0x88, s3;
	s6 =	simm.s32 @!p1 $0x1082;
	[sflag:s4] =	ssyncset.s32 $0xFFFFF086  }
0x25: {  	[simem:s6], [sflag:s4] =	dma.local [hbm:s3], $0xF7A  }
0x26: {  	[smem:$0x3F9A] =	sst s1;
	(tag) =	ssettag s2;
	_ =	strace s9  }
0x27: {  	s1 =	sld [smem:$0x3FAA]  }
0x28: {  	s2 =	sld [smem:$0x3FAB]  }
0x29: {  	s4 =	sld [smem:$0x3FAD]  }
0x2a: {  	p0 =	seq.s32 s5, $0x0;
	s5 =	sld [smem:$0x3FAE]  }
0x2b: {  	s6 =	sld [smem:$0x3FAF]  }
0x2c: {  	s7 =	sld [smem:$0x3FB0]  }
0x2d: {  	s3 =	simm.s32 $0x108;
	s8 =	sld [smem:$0x3FB1]  }
0x2e: {  	s3 =	simm.s32 @!p0 $0x1082;
	s9 =	sld [smem:$0x3FB2]  }
0x2f: {  	lr =	sadd.s32 s0, s3;
	s0 =	sld [smem:$0x3FA9]  }
0x30: {  	s3 =	sld [smem:$0x3FAC]  }
0x31: {  	[smem:$0x3FB5] =	sst s10  }
0x32: {  	s10 =	sld [smem:$0x3FB3];
	_ =	sdelay $0x3  }
0x33: {  	p0 =	seq.s32 s10, $0x1;
	s10 =	sld [smem:$0x3FB5];
	_ =	sdelay $0x3  }
0x34: {  	[smem:$0x3FB5] =	sst s10  }
0x35: {  	s10 =	sld [smem:$0x3FB4];
	_ =	sdelay $0x3  }
0x36: {  	p1 =	seq.s32 s10, $0x1;
	s10 =	sld [smem:$0x3FB5];
	_ =	sdelay $0x3  }
0x37: {  	[smem:$0x3FB5] =	sst s10  }
0x38: {  	s10 =	sld [smem:$0x3FB6]  }
0x39: {  	_ = 	snop;
	(pc) =	sbr.ind lr, $3  }
0x3a: {  	_ = 	snop  }
0x3b: {  	_ = 	snop  }
0x3c: {  	p2 =	seq.s32 s10, $0x1;
	s10 =	sld [smem:$0x3FB5]  }
0x3d: {  	_ =	shalt  }
0x3e: {  	_ =	shalt  }
0x3f: {  	_ =	shalt  }
0x40: {  	_ =	shalt  }
0x41: {  	_ =	shalt  }
0x42: {  	_ =	shalt  }
0x43: {  	_ =	shalt  }
0x44: {  	_ =	shalt  }
0x45: {  	_ =	shalt  }
0x46: {  	_ =	shalt  }
0x47: {  	_ =	shalt  }
0x48: {  	_ =	shalt  }
0x49: {  	_ =	shalt  }
0x4a: {  	_ =	shalt  }
0x4b: {  	_ =	shalt  }
0x4c: {  	_ =	shalt  }
0x4d: {  	_ =	shalt  }
0x4e: {  	_ =	shalt  }
0x4f: {  	_ =	shalt  }
0x50: {  	_ =	shalt  }
0x51: {  	_ =	shalt  }
0x52: {  	_ =	shalt  }
0x53: {  	_ =	shalt  }
0x54: {  	_ =	shalt  }
0x55: {  	_ =	shalt  }
0x56: {  	_ =	shalt  }
0x57: {  	_ =	shalt  }
0x58: {  	_ =	shalt  }
0x59: {  	_ =	shalt  }
0x5a: {  	_ =	shalt  }
0x5b: {  	_ =	shalt  }
0x5c: {  	_ =	shalt  }
0x5d: {  	_ =	shalt  }
0x5e: {  	_ =	shalt  }
0x5f: {  	_ =	shalt  }
0x60: {  	_ =	shalt  }
0x61: {  	_ =	shalt  }
0x62: {  	_ =	shalt  }
0x63: {  	_ =	shalt  }
0x64: {  	_ =	shalt  }
0x65: {  	_ =	shalt  }
0x66: {  	_ =	shalt  }
0x67: {  	_ =	shalt  }
0x68: {  	_ =	shalt  }
0x69: {  	_ =	shalt  }
0x6a: {  	_ =	shalt  }
0x6b: {  	_ =	shalt  }
0x6c: {  	_ =	shalt  }
0x6d: {  	_ =	shalt  }
0x6e: {  	_ =	shalt  }
0x6f: {  	_ =	shalt  }
0x70: {  	_ =	shalt  }
0x71: {  	_ =	shalt  }
0x72: {  	_ =	shalt  }
0x73: {  	_ =	shalt  }
0x74: {  	_ =	shalt  }
0x75: {  	_ =	shalt  }
0x76: {  	_ =	shalt  }
0x77: {  	_ =	shalt  }
0x78: {  	_ =	shalt  }
0x79: {  	_ =	shalt  }
0x7a: {  	_ =	shalt  }
0x7b: {  	_ =	shalt  }
0x7c: {  	_ =	shalt  }
0x7d: {  	_ =	shalt  }
0x7e: {  	_ =	shalt  }
0x7f: {  	_ =	shalt  }
0x80: {  	_ =	shalt  }
0x81: {  	_ =	shalt  }
0x82: {  	_ =	shalt  }
0x83: {  	_ =	shalt  }
0x84: {  	_ =	shalt  }
0x85: {  	_ =	shalt  }
0x86: {  	_ =	shalt  }
0x87: {  	_ =	shalt  }
.Lfunc_end0:
.L_simem_size_0:
called_computation.1_lowered:
.L_overlay_start_0:
0x88: {  	s2 =	sld [smem:$0x3FD9]  }
0x89: {  	s3 =	sld [smem:$0x3FFE];
	_ =	sdelay $0x1  }
0x8a: {  	s1 =	srdreg.scid  }
0x8b: {  	s0 =	sand.u32 $0x1, s1  }
0x8c: {  	s14 =	sshll.u32 s0, $0xA;
	s2 =	sadd.s32 s3, s2  }
0x8d: {  	s2 =	sadd.s32 s2, s14  }
0x8e: {  	[smem:$0x3FC1] =	sst s2  }
0x8f: {  	_ = 	snop  }
0x90: {  	s2 =	sld [smem:$0x3FD0];
	_ =	sdelay $0x2  }
0x91: {  	s15 =	simm.s32 $0xA;
	s4 =	simm.s32 $0x10  }
0x92: {  	[smem:s4], [sflag:s15] =	dma.local [hbm:s2], $0x1  }
0x93: {  	_ =	swait.eq [sflag:s15], $0x1  }
0x94: {  	[sflag:s15] =	ssyncset.done $0x0  }
0x95: {  	[sflag:s15] =	ssyncadd.s32 $0xFFFFFFFF  }
0x96: {  	s16 =	sld [smem:$0x10];
	(tm) =	ssettm $0x1  }
0x97: {  	s17 =	sld [smem:$0x3FFB];
	_ =	sdelay $0x3  }
0x98: {  	_ =	strace s17  }
0x99: {  	s3 =	sld [smem:$0x3FFC];
	_ =	sdelay $0x3  }
0x9a: {  	_ =	strace s3  }
0x9b: {  	s3 =	sld [smem:$0x3FFD];
	_ =	sdelay $0x3  }
0x9c: {  	_ =	strace s3  }
0x9d: {  	_ =	strace $0x8FFFFFFF  }
0x9e: {  	s18 =	sld [smem:$0x3FDB];
	_ =	sdelay $0x1  }
0x9f: {  	s19 =	simm.s32 $_scs_section_size  }
0xa0: {  	s5 =	simm.s32 $_size__tile_overlayer_lowered;
	s6 =	simm.s32 $_tile_overlayer_lowered  }
0xa1: {  	s22 =	simm.s32 $0x1BFF;
	s21 =	sshll.u32 s6, $0x1;
	s3 =	sadd.s32 s19, s18  }
0xa2: {  	s7 =	simm.s32 $0x0;
	s20 =	sshll.u32 s5, $0x1;
	s5 =	sadd.s32 s21, s3  }
0xa3: {  	[timem:s7], [sflag:s22] =	dma.local [hbm:s5], s20  }
0xa4: {  	_ =	swait.ge [sflag:s22], s20  }
0xa5: {  	s4 =	ssub.s32 $0x0, s20;
	[sflag:s22] =	ssyncset.done $0x0  }
0xa6: {  	[sflag:s22] =	ssyncadd.s32 s4;
	_ =	sdelay $0x1  }
0xa7: {  	s23 =	simm.s32 $0x1B8B  }
0xa8: {  	_ =	swait.ge [sflag:s23], $0x1  }
0xa9: {  	[sflag:s23] =	ssyncset.done $0x0  }
0xaa: {  	s25 =	simm.s32 $0x1B8E;
	s24 =	sld [smem:$0x3FFE];
	[sflag:s23] =	ssyncadd.s32 $0xFFFFFFFF  }
0xab: {  	s26 =	simm.s32 $execute0_lowered;
	[smem:$0x3FD2] =	sst s25  }
0xac: {  	s5 =	sshll.u32 s26, $0x1;
	_ =	strace $0x80000049;
	[dreg:$0x1] =	wrdreg $0xFFFFFFFF  }
0xad: {  	s28 =	simm.s32 $_size_execute0_lowered;
	s3 =	sadd.s32 s3, s5;
	[dreg:$0x0] =	wrdreg $0x0  }
0xae: {  	s5 =	sshll.u32 s28, $0x1;
	[dreg:$0x2] =	wrdreg s3  }
0xaf: {  	[dreg:$0x3] =	wrdreg s5  }
0xb0: {  	[dreg:$0x4] =	wrdreg $0xC0  }
0xb1: {  	_ =	task [dreg:s7], $0x5FFFF  }
0xb2: {  	[dreg:$0x1] =	wrdreg $0xFFFFFFFF  }
0xb3: {  	[dreg:$0x0] =	wrdreg $0x60  }
0xb4: {  	[dreg:$0x2] =	wrdreg s24  }
0xb5: {  	[dreg:$0x3] =	wrdreg s16  }
0xb6: {  	[dreg:$0x4] =	wrdreg $0x9  }
0xb7: {  	_ =	task.clear_ibuf [dreg:s7], $0x5FFFF;
	_ =	strace $0x90000049  }
0xb8: {  	s29 =	simm.s32 $0x9;
	_ =	strace $0x8000004B  }
0xb9: {  	_ =	swait.ge [sflag:s29], $0x1  }
0xba: {  	[sflag:s29] =	ssyncadd.s32 $0xFFFFFFFF  }
0xbb: {  	_ =	strace $0x9000004B  }
0xbc: {  	_ =	sfence  }
0xbd: {  	s30 =	sld [smem:$0x0];
	_ =	sdelay $0x2  }
0xbe: {  	s31 =	sshll.u32 s1, $0xD;
	s1 =	sshrl.u32 s1, $0x2  }
0xbf: {  	s3 =	sand.u32 $0x4000, s31;
	s1 =	sadd.s32 s1, s30  }
0xc0: {  	s0 =	sor.u32 s3, s0;
	s1 =	sshll.u32 s1, $0x11  }
0xc1: {  	s0 =	sor.u32 s1, s0  }
0xc2: {  	s0 =	sadd.s32 $0x8F2B, s0  }
0xc3: {  	[sflag:s0] =	ssyncadd.remote.s32 $0x1  }
0xc4: {  	_ =	sfence.sel $0xFFFF  }
0xc5: {  	[dreg:$0x0] =	wrdreg $0xFFFFFFFF;
	(pc) =	sbr.abs _section_cstart, $3  }
0xc6: {  	[dreg:$0x1] =	wrdreg $0xFFFFFFFF  }
0xc7: {  	_ =	task.clear_ibuf [dreg:s7], $0x2FFFF;
	_ =	strace $0x9FFFFFFF  }
0xc8: {  	(tm) =	ssettm $0x7FFFFFFF  }
0xc9: {  	_ =	shalt  }
tec
execute0_lowered:
.L_overlay_start_1:
0x0: {  	(tag) =	ssettag $0x1  }
0x1: {  	s1 =	srdreg.scid  }
0x2: {  	s0 =	stileid.u32;
	s6 =	rddreg [dreg:$0x0]  }
0x3: {  	s4 =	rddreg [dreg:$0x1];
	s18 =	simm.s32 $0x880;
	s19 =	simm.s32 $0x1080  }
0x4: {  	s20 =	simm.s32 $0x1880;
	s22 =	simm.s32 $0x2080;
	s23 =	simm.s32 $0x2880  }
0x5: {  	s7 =	simm.s32 $0x3080;
	s24 =	simm.s32 $0x3880;
	s8 =	simm.s32 $0x4080  }
0x6: {  	s25 =	simm.s32 $0x4880;
	s26 =	simm.s32 $0x5080;
	s1 =	sand.u32 $0x1, s1  }
0x7: {  	s9 =	simm.s32 $0x80;
	s2 =	sshll.u32 s0, $0x7;
	s3 =	sshll.u32 s1, $0x6  }
0x8: {  	s11 =	simm.s32 $0x6080;
	s3 =	sor.u32 s3, s2;
	s2 =	simm.s32 $0x0  }
0x9: {  	s12 =	simm.s32 $0x6880;
	s13 =	simm.s32 $0x7080;
	[smem:$0x7FF] =	sst s2  }
0xa: {  	s14 =	simm.s32 $0x7880;
	_ =	strace $0x8000004A;
	[dreg:$0x5] =	wrdreg s18  }
0xb: {  	s15 =	simm.s32 $0x8080;
	s16 =	simm.s32 $0x8880;
	[dreg:$0x6] =	wrdreg s19  }
0xc: {  	s17 =	simm.s32 $0x9080;
	s28 =	simm.s32 $0xE080;
	[dreg:$0x7] =	wrdreg s20  }
0xd: {  	s29 =	simm.s32 $0xE880;
	s30 =	simm.s32 $0xF080;
	[dreg:$0x8] =	wrdreg s22  }
0xe: {  	s31 =	simm.s32 $0xF880;
	s1 =	ssub.s32 $0x2, s1;
	[dreg:$0x9] =	wrdreg s23  }
0xf: {  	s21 =	sshrl.u32 s1, $0x1;
	s5 =	sshrl.u32 s3, $0x3;
	[dreg:$0xa] =	wrdreg s7  }
0x10: {  	s3 =	sshll.u32 s3, $0x7;
	s1 =	ssub.s32 s1, s21;
	[dreg:$0xb] =	wrdreg s24  }
0x11: {  	s21 =	simm.s32 $0xB080;
	s5 =	sadd.s32 s5, s6;
	[dreg:$0xc] =	wrdreg s8  }
0x12: {  	s3 =	sadd.s32 s4, s3;
	s4 =	sadd.s32 $0x79D00, s6;
	[dreg:$0xd] =	wrdreg s25  }
0x13: {  	s7 =	smax.u32 s1, $0x1;
	s8 =	simm.s32 $0x2;
	[dreg:$0xe] =	wrdreg s26  }
0x14: {  	s18 =	simm.s32 $0x9880;
	s19 =	simm.s32 $0xA080;
	s20 =	simm.s32 $0xA880  }
0x15: {  	s22 =	simm.s32 $0xB880;
	s23 =	simm.s32 $0xC080;
	s24 =	simm.s32 $0xC880  }
0x16: {  	v2 =	vlaneseq.u32;
	s25 =	simm.s32 $0xD080;
	s26 =	simm.s32 $0xD880;
	s1 =	simm.s32 $0x1  }
0x17: {  	vm0 =	vmmov $0xffff;
	v1 =	vshrl.u32 v2, $0x3;
	s5 =	sadd.s32 $0x1600, s5;
	[dreg:$0x4] =	wrdreg s3;
	s3 =	sadd.s32 $0x79C00, s6  }
0x18: {  	v0 =	vand.u32 $0x7, v2;
	v2 =	vor.u32 $0x8, v2;
	v1 =	vmul.u32 $0x8, v1;
	[dreg:$0x3] =	wrdreg s5;
	s5 =	sadd.s32 $0x79E00, s6;
	s6 =	sadd.s32 $0x79F00, s6  }
.LBB2_1:
0x19: {  	s0 =	rddreg [dreg:$0x3]  }
0x1a: {  	[tilespmem:s2], [sflag:$0x2] =	stream.linear.gather [hbm4b:s0+s2], $0x40, $0x38;
	[tilespmem:$0x10080] =	vst v63  }
0x1b: {  	_ =	swait.ge [sflag:s8], $0x40  }
0x1c: {  	[sflag:s8] =	ssyncset.done $0x0  }
0x1d: {  	[sflag:s8] =	ssyncadd.s32 $0xFFFFFFC0  }
0x1e: {  	v3 =	vld [tilespmem:$0x0];
	_ =	sdelay $0x4  }
0x1f: {  	v4 =	vshll.u32 v3, $0x3  }
0x20: {  	v3 =	vand.u32 $0x7, v3;
	v4 =	vand.u32 $0xFFFFFFC0, v4  }
0x21: {  	v3 =	vor.u32 v3, v4  }
0x22: {  	v4 =	vperm.xlane v3, v0;
	_ =	sdelay $0x1  }
0x23: {  	v4 =	vadd.s32 v1, v4;
	_ =	sdelay $0x4  }
0x24: {  	[tilespmem:s9], [sflag:$0x1] =	stream.indirect_vreg.gather [hbm4b:s3+s2], $0x80, v4, vm0, $0xb8;
	[tilespmem:$0x10080] =	vst v63  }
0x25: {  	s0 =	rddreg [dreg:$0x5];
	v3 =	vperm.xlane v3, v2  }
0x26: {  	[tilespmem:s0], [sflag:$0x1] =	stream.indirect_vreg.gather [hbm4b:s4+s2], $0x80, v4, vm0, $0xb8;
	[tilespmem:$0x10080] =	vst v63  }
0x27: {  	s10 =	rddreg [dreg:$0x6];
	v3 =	vadd.s32 v1, v3  }
0x28: {  	[tilespmem:s10], [sflag:$0x1] =	stream.indirect_vreg.gather [hbm4b:s5+s2], $0x80, v4, vm0, $0xb8;
	[tilespmem:$0x10080] =	vst v63  }
0x29: {  	s0 =	rddreg [dreg:$0x7]  }
0x2a: {  	[tilespmem:s0], [sflag:$0x1] =	stream.indirect_vreg.gather [hbm4b:s6+s2], $0x80, v4, vm0, $0xb8;
	[tilespmem:$0x10080] =	vst v63  }
0x2b: {  	s10 =	rddreg [dreg:$0x8]  }
0x2c: {  	[tilespmem:s10], [sflag:$0x1] =	stream.indirect_vreg.gather [hbm4b:s3+s2], $0x80, v3, vm0, $0xb8;
	[tilespmem:$0x10080] =	vst v63  }
0x2d: {  	s0 =	rddreg [dreg:$0x9]  }
0x2e: {  	[tilespmem:s0], [sflag:$0x1] =	stream.indirect_vreg.gather [hbm4b:s4+s2], $0x80, v3, vm0, $0xb8;
	[tilespmem:$0x10080] =	vst v63  }
0x2f: {  	s10 =	rddreg [dreg:$0xa]  }
0x30: {  	[tilespmem:s10], [sflag:$0x1] =	stream.indirect_vreg.gather [hbm4b:s5+s2], $0x80, v3, vm0, $0xb8;
	[tilespmem:$0x10080] =	vst v63  }
0x31: {  	s0 =	rddreg [dreg:$0xb]  }
0x32: {  	[tilespmem:s0], [sflag:$0x1] =	stream.indirect_vreg.gather [hbm4b:s6+s2], $0x80, v3, vm0, $0xb8;
	[tilespmem:$0x10080] =	vst v63  }
0x33: {  	v3 =	vld [tilespmem:$0x10];
	_ =	sdelay $0x4  }
0x34: {  	v61 =	vshll.u32 v3, $0x3  }
0x35: {  	v3 =	vand.u32 $0x7, v3;
	v4 =	vand.u32 $0xFFFFFFC0, v61  }
0x36: {  	v3 =	vor.u32 v3, v4  }
0x37: {  	v4 =	vperm.xlane v3, v0;
	_ =	sdelay $0x1  }
0x38: {  	v4 =	vadd.s32 v1, v4;
	_ =	sdelay $0x3  }
0x39: {  	s0 =	rddreg [dreg:$0xc]  }
0x3a: {  	[tilespmem:s0], [sflag:$0x1] =	stream.indirect_vreg.gather [hbm4b:s3+s2], $0x80, v4, vm0, $0xb8;
	[tilespmem:$0x10080] =	vst v63  }
0x3b: {  	s10 =	rddreg [dreg:$0xd];
	v3 =	vperm.xlane v3, v2  }
0x3c: {  	[tilespmem:s10], [sflag:$0x1] =	stream.indirect_vreg.gather [hbm4b:s4+s2], $0x80, v4, vm0, $0xb8;
	[tilespmem:$0x10080] =	vst v63  }
0x3d: {  	v3 =	vadd.s32 v1, v3;
	s0 =	rddreg [dreg:$0xe]  }
0x3e: {  	[tilespmem:s0], [sflag:$0x1] =	stream.indirect_vreg.gather [hbm4b:s5+s2], $0x80, v4, vm0, $0xb8;
	[tilespmem:$0x10080] =	vst v63  }
0x3f: {  	s10 =	simm.s32 $0x5880  }
0x40: {  	[tilespmem:s10], [sflag:$0x1] =	stream.indirect_vreg.gather [hbm4b:s6+s2], $0x80, v4, vm0, $0xb8;
	[tilespmem:$0x10080] =	vst v63  }
0x41: {  	_ = 	snop  }
0x42: {  	[tilespmem:s11], [sflag:$0x1] =	stream.indirect_vreg.gather [hbm4b:s3+s2], $0x80, v3, vm0, $0xb8;
	[tilespmem:$0x10080] =	vst v63  }
0x43: {  	_ = 	snop  }
0x44: {  	[tilespmem:s12], [sflag:$0x1] =	stream.indirect_vreg.gather [hbm4b:s4+s2], $0x80, v3, vm0, $0xb8;
	[tilespmem:$0x10080] =	vst v63  }
0x45: {  	_ = 	snop  }
0x46: {  	[tilespmem:s13], [sflag:$0x1] =	stream.indirect_vreg.gather [hbm4b:s5+s2], $0x80, v3, vm0, $0xb8;
	[tilespmem:$0x10080] =	vst v63  }
0x47: {  	_ = 	snop  }
0x48: {  	[tilespmem:s14], [sflag:$0x1] =	stream.indirect_vreg.gather [hbm4b:s6+s2], $0x80, v3, vm0, $0xb8;
	[tilespmem:$0x10080] =	vst v63  }
0x49: {  	v3 =	vld [tilespmem:$0x20];
	_ =	sdelay $0x4  }
0x4a: {  	v62 =	vshll.u32 v3, $0x3  }
0x4b: {  	v3 =	vand.u32 $0x7, v3;
	v4 =	vand.u32 $0xFFFFFFC0, v62  }
0x4c: {  	v3 =	vor.u32 v3, v4  }
0x4d: {  	v4 =	vperm.xlane v3, v0;
	_ =	sdelay $0x1  }
0x4e: {  	v4 =	vadd.s32 v1, v4;
	_ =	sdelay $0x4  }
0x4f: {  	[tilespmem:s15], [sflag:$0x1] =	stream.indirect_vreg.gather [hbm4b:s3+s2], $0x80, v4, vm0, $0xb8;
	[tilespmem:$0x10080] =	vst v63  }
0x50: {  	v3 =	vperm.xlane v3, v2  }
0x51: {  	[tilespmem:s16], [sflag:$0x1] =	stream.indirect_vreg.gather [hbm4b:s4+s2], $0x80, v4, vm0, $0xb8;
	[tilespmem:$0x10080] =	vst v63  }
0x52: {  	v3 =	vadd.s32 v1, v3  }
0x53: {  	[tilespmem:s17], [sflag:$0x1] =	stream.indirect_vreg.gather [hbm4b:s5+s2], $0x80, v4, vm0, $0xb8;
	[tilespmem:$0x10080] =	vst v63  }
0x54: {  	_ = 	snop  }
0x55: {  	[tilespmem:s18], [sflag:$0x1] =	stream.indirect_vreg.gather [hbm4b:s6+s2], $0x80, v4, vm0, $0xb8;
	[tilespmem:$0x10080] =	vst v63  }
0x56: {  	_ = 	snop  }
0x57: {  	[tilespmem:s19], [sflag:$0x1] =	stream.indirect_vreg.gather [hbm4b:s3+s2], $0x80, v3, vm0, $0xb8;
	[tilespmem:$0x10080] =	vst v63  }
0x58: {  	_ = 	snop  }
0x59: {  	[tilespmem:s20], [sflag:$0x1] =	stream.indirect_vreg.gather [hbm4b:s4+s2], $0x80, v3, vm0, $0xb8;
	[tilespmem:$0x10080] =	vst v63  }
0x5a: {  	_ = 	snop  }
0x5b: {  	[tilespmem:s21], [sflag:$0x1] =	stream.indirect_vreg.gather [hbm4b:s5+s2], $0x80, v3, vm0, $0xb8;
	[tilespmem:$0x10080] =	vst v63  }
0x5c: {  	_ = 	snop  }
0x5d: {  	[tilespmem:s22], [sflag:$0x1] =	stream.indirect_vreg.gather [hbm4b:s6+s2], $0x80, v3, vm0, $0xb8;
	[tilespmem:$0x10080] =	vst v63  }
0x5e: {  	v3 =	vld [tilespmem:$0x30];
	_ =	sdelay $0x4  }
0x5f: {  	v63 =	vshll.u32 v3, $0x3  }
0x60: {  	v3 =	vand.u32 $0x7, v3;
	v4 =	vand.u32 $0xFFFFFFC0, v63  }
0x61: {  	v3 =	vor.u32 v3, v4  }
0x62: {  	v4 =	vperm.xlane v3, v0;
	_ =	sdelay $0x1  }
0x63: {  	v4 =	vadd.s32 v1, v4;
	_ =	sdelay $0x4  }
0x64: {  	[tilespmem:s23], [sflag:$0x1] =	stream.indirect_vreg.gather [hbm4b:s3+s2], $0x80, v4, vm0, $0xb8;
	[tilespmem:$0x10080] =	vst v63  }
0x65: {  	v3 =	vperm.xlane v3, v2  }
0x66: {  	[tilespmem:s24], [sflag:$0x1] =	stream.indirect_vreg.gather [hbm4b:s4+s2], $0x80, v4, vm0, $0xb8;
	[tilespmem:$0x10080] =	vst v63  }
0x67: {  	v3 =	vadd.s32 v1, v3  }
0x68: {  	[tilespmem:s25], [sflag:$0x1] =	stream.indirect_vreg.gather [hbm4b:s5+s2], $0x80, v4, vm0, $0xb8;
	[tilespmem:$0x10080] =	vst v63  }
0x69: {  	_ = 	snop  }
0x6a: {  	[tilespmem:s26], [sflag:$0x1] =	stream.indirect_vreg.gather [hbm4b:s6+s2], $0x80, v4, vm0, $0xb8;
	[tilespmem:$0x10080] =	vst v63  }
0x6b: {  	_ = 	snop  }
0x6c: {  	[tilespmem:s28], [sflag:$0x1] =	stream.indirect_vreg.gather [hbm4b:s3+s2], $0x80, v3, vm0, $0xb8;
	[tilespmem:$0x10080] =	vst v63  }
0x6d: {  	_ = 	snop  }
0x6e: {  	[tilespmem:s29], [sflag:$0x1] =	stream.indirect_vreg.gather [hbm4b:s4+s2], $0x80, v3, vm0, $0xb8;
	[tilespmem:$0x10080] =	vst v63  }
0x6f: {  	_ = 	snop  }
0x70: {  	[tilespmem:s30], [sflag:$0x1] =	stream.indirect_vreg.gather [hbm4b:s5+s2], $0x80, v3, vm0, $0xb8;
	[tilespmem:$0x10080] =	vst v63  }
0x71: {  	_ = 	snop  }
0x72: {  	[tilespmem:s31], [sflag:$0x1] =	stream.indirect_vreg.gather [hbm4b:s6+s2], $0x80, v3, vm0, $0xb8;
	[tilespmem:$0x10080] =	vst v63  }
0x73: {  	_ =	swait.ge [sflag:s1], $0x10000  }
0x74: {  	p0 =	sne.s32 s7, $0x1;
	[sflag:s1] =	ssyncset.done $0x0  }
.Ltmp0:
0x75: {  	s10 =	rddreg [dreg:$0x4];
	[sflag:s1] =	ssyncadd.s32 $0xFFFF0000;
	(pc) =	sbr.rel @p0 .LBB2_1-.Ltmp0, $4  }
0x76: {  	[hbm4b:s10+s2] =	stream.linear.scatter [tilespmem:s9], [sflag:$0x2], $0x10000, $0x38;
	[tilespmem:$0x10080] =	vst v63  }
0x77: {  	_ =	swait.ge [sflag:s8], $0x10000  }
0x78: {  	[sflag:s8] =	ssyncset.done $0x0  }
0x79: {  	s7 =	sadd.s32 $0xFFFFFFFF, s7;
	[sflag:s8] =	ssyncadd.s32 $0xFFFF0000  }
0x7a: {  	_ =	sfence.sel $0x180000  }
0x7b: {  	[bflag:$0x0] =	sbarrier.arrive $0xFFFF  }
0x7c: {  	_ =	strace $0x9000004A  }
0x7d: {  	s0 =	stileid.u32;
	[bflag:$0x2] =	sbarrier.arrive $0xFFFF  }
0x7e: {  	p0 =	sne.s32 s0, $0x0;
	s0 =	rddreg [dreg:$0x2]  }
0x7f: {  	s0 =	sadd.s32 @!p0 $0x100000, s0  }
0x80: {  	[sflag:s0] =	ssyncadd.tile.s32 @!p0 $0x1;
	_ =	shalt  }
.Lfunc_end2:
_tile_overlayer_lowered:
.L_overlay_start_2:
0x81: {  	(tag) =	ssettag $0x2  }
0x82: {  	s0 =	rddreg [dreg:$0x0];
	s2 =	stileid.u32  }
0x83: {  	s1 =	rddreg [dreg:$0x1];
	p0 =	sne.s32 s2, $0x0  }
0x84: {  	s3 =	rddreg [dreg:$0x2];
	[bflag:$0x3] =	sbarrier.arrive $0xFFFF;
	s2 =	simm.s32 @!p0 $0x1C02  }
0x85: {  	[timem:s3], [sflag:s2] =	dma.local @!p0 [hbm:s0], s1  }
0x86: {  	s0 =	simm.s32 @!p0 $0x2  }
0x87: {  	_ =	swait.ge @!p0 [sflag:s0], s1  }
0x88: {  	s1 =	ssub.s32 @!p0 $0x0, s1;
	[sflag:s0] =	ssyncset.done @!p0 $0x0  }
0x89: {  	[sflag:s0] =	ssyncadd.s32 @!p0 s1  }
0x8a: {  	[bflag:$0x3] =	sbarrier.arrive $0xFFFF  }
0x8b: {  	_ =	shalt  }

</sc_bundles>
